<compile_context>
chip_gen: v7x
topology: tpu7x:2x2x1
jax: 0.10.2.dev20260603
libtpu: 0.0.44.dev20260713+nightly
codegen_flags: <defaults>
</compile_context>

<pallas_src>
import functools

import jax
import jax.numpy as jnp
from jax import lax
from jax.experimental import pallas as pl
from jax.experimental.pallas import tpu as pltpu
from jax.experimental.pallas import tpu_sc as plsc

D = 64
EPS = 1e-12
CHUNK = 128
NBUF = 5


@functools.lru_cache(maxsize=None)
def _sc_gather_fn(n_chunks_total: int, n_pairs: int):
    info = plsc.get_sparse_core_info()
    nw = info.num_cores * info.num_subcores
    t = n_chunks_total // nw
    assert t * nw == n_chunks_total and t % NBUF == 0
    n_iter = t // NBUF
    mesh = plsc.VectorSubcoreMesh(core_axis_name="c", subcore_axis_name="s")

    @functools.partial(
        pl.kernel,
        mesh=mesh,
        compiler_params=pltpu.CompilerParams(use_tc_tiling_on_sc=False),
        out_type=jax.ShapeDtypeStruct((n_chunks_total * CHUNK, 2 * D),
                                      jnp.float32),
        scratch_types=(
            [pltpu.VMEM((t, CHUNK), jnp.int32)]
            + [pltpu.VMEM((CHUNK, 2 * D), jnp.float32) for _ in range(NBUF)]
            + [pltpu.SemaphoreType.DMA for _ in range(2 * NBUF)]
        ),
    )
    def gather_kernel(ids_hbm, table_hbm, out_hbm, idx_v, *rest):
        bufs = rest[:NBUF]
        gsem = rest[NBUF:2 * NBUF]
        osem = rest[2 * NBUF:]
        wid = lax.axis_index("s") * info.num_cores + lax.axis_index("c")
        chunk0 = wid * t
        row0 = chunk0 * CHUNK

        pltpu.sync_copy(ids_hbm.at[pl.ds(chunk0, t)], idx_v)

        def start_gather(j, b):
            pltpu.async_copy(table_hbm.at[idx_v.at[j]], bufs[b], gsem[b])

        def wait_gather(j, b):
            pltpu.make_async_copy(table_hbm.at[idx_v.at[j]], bufs[b], gsem[b]).wait()

        def start_store(j, b):
            pltpu.async_copy(bufs[b], out_hbm.at[pl.ds(row0 + j * CHUNK, CHUNK)],
                             osem[b])

        def wait_store(j, b):
            pltpu.make_async_copy(bufs[b],
                                  out_hbm.at[pl.ds(row0 + j * CHUNK, CHUNK)],
                                  osem[b]).wait()

        for b in range(NBUF):
            start_gather(b, b)

        def body(g, carry):
            for b in range(NBUF):
                j = g * NBUF + b
                wait_gather(j, b)
                start_store(j, b)

            @pl.when(g + 1 < n_iter)
            def _():
                for b in range(NBUF):
                    jn = (g + 1) * NBUF + b
                    wait_store(jn - NBUF, b)
                    start_gather(jn, b)

            return carry

        lax.fori_loop(0, n_iter, body, 0)
        for b in range(NBUF):
            wait_store((n_iter - 1) * NBUF + b, b)

    return gather_kernel


TBT = 16384


def _tp_body(x_ref, o_ref):
    x = x_ref[...]
    xs = jnp.concatenate([x[:, :TBT // 2], x[:, TBT // 2:]], axis=0)
    o_ref[...] = xs.T


def _transpose_pack(table_t, vocab: int):
    nsb = (vocab + TBT - 1) // TBT
    return pl.pallas_call(
        _tp_body,
        grid=(nsb,),
        in_specs=[pl.BlockSpec((D, TBT), lambda i: (0, i))],
        out_specs=pl.BlockSpec((TBT // 2, 2 * D), lambda i: (i, 0)),
        out_shape=jax.ShapeDtypeStruct((nsb * (TBT // 2), 2 * D), jnp.float32),
    )(table_t)


def _ln_body(x_ref, c_ref, g_ref, b_ref, p_ref, par_ref, o_ref):
    x = x_ref[...] + c_ref[...]
    p = p_ref[...]
    m = jax.lax.dot(x, p, precision=lax.Precision.DEFAULT)
    sq = jax.lax.dot(x * x, p, precision=lax.Precision.DEFAULT)
    v = sq - m * m
    y = (x - m) * lax.rsqrt(v + EPS) * g_ref[...] + b_ref[...]
    t = y.T
    sel = jnp.where(par_ref[0] == 1, t[D:], t[:D])
    o_ref[...] = sel.reshape(1, D, sel.shape[-1])


def _ln_body_alias(z_ref, x_ref, c_ref, g_ref, b_ref, p_ref, par_ref, o_ref):
    del z_ref
    _ln_body(x_ref, c_ref, g_ref, b_ref, p_ref, par_ref, o_ref)


def _layernorm_q(lines, common2, gamma2, beta2, pmat, par3, s1: int, s0: int,
                 bs: int, q0: int, nq: int, prev=None):
    nblk = s0 // bs
    data_specs = [
        pl.BlockSpec((bs, 2 * D), lambda q, i: (q * nblk + i, 0)),
        pl.BlockSpec((1, 2 * D), lambda q, i: (0, 0)),
        pl.BlockSpec((1, 2 * D), lambda q, i: (0, 0)),
        pl.BlockSpec((1, 2 * D), lambda q, i: (0, 0)),
        pl.BlockSpec((2 * D, 2 * D), lambda q, i: (0, 0)),
        pl.BlockSpec((1, 1, bs), lambda q, i: (q, 0, i)),
    ]
    out_spec = pl.BlockSpec((1, D, bs), lambda q, i: (q + q0, 0, i))
    out_shape = jax.ShapeDtypeStruct((s1, D, s0), jnp.float32)
    if prev is None:
        return pl.pallas_call(
            _ln_body, grid=(nq, nblk), in_specs=data_specs,
            out_specs=out_spec, out_shape=out_shape,
        )(lines, common2, gamma2, beta2, pmat, par3)
    return pl.pallas_call(
        _ln_body_alias, grid=(nq, nblk),
        in_specs=[pl.BlockSpec(memory_space=pl.ANY)] + data_specs,
        out_specs=out_spec, out_shape=out_shape,
        input_output_aliases={0: 0},
    )(prev, lines, common2, gamma2, beta2, pmat, par3)


def kernel(input_ids, table, common, gamma, beta):
    s0, s1 = input_ids.shape
    b = s0 * s1
    idsp = input_ids.transpose(1, 0).astype(jnp.int32)
    half = TBT // 2
    sh = TBT.bit_length() - 1
    pidx = ((idsp >> sh) * half) | (idsp & (half - 1))
    par3 = ((idsp >> (sh - 1)) & 1).reshape(s1, 1, s0)
    tpack = _transpose_pack(table.T, table.shape[0])
    dup = lambda a: jnp.concatenate([a.reshape(1, D), a.reshape(1, D)], axis=1)
    lane = jax.lax.broadcasted_iota(jnp.int32, (2 * D, 2 * D), 0)
    lane_t = jax.lax.broadcasted_iota(jnp.int32, (2 * D, 2 * D), 1)
    pmat = jnp.where((lane // D) == (lane_t // D), 1.0 / D, 0.0).astype(jnp.float32)
    k = 2
    qs = s1 // k
    gf = _sc_gather_fn(qs * s0 // CHUNK, tpack.shape[0])
    args = (dup(common), dup(gamma), dup(beta), pmat)
    slabs = [gf(pidx[j * qs:(j + 1) * qs].reshape(-1, CHUNK), tpack)
             for j in range(k)]
    z3 = None
    for j in range(k):
        z3 = _layernorm_q(slabs[j], *args, par3[j * qs:(j + 1) * qs], s1, s0,
                          bs=16384, q0=j * qs, nq=qs, prev=z3)
    return z3.transpose(2, 0, 1)

# --- scband reference (transcript-rebuilt; emitter-appended) ---
"""Pipeline reference for scband-entity-embeddings-10634339025121 (READ-ONLY COPY).

The authoritative reference and input builder live on the scoring server;
editing this copy changes nothing except your own understanding.
"""

import jax, jax.numpy as jnp
import numpy as np

VOCAB = 1000000
D = 64
EPS = 1e-12


def setup_inputs(seed: int = 0) -> dict:
    key = jax.random.key(seed)
    k1, k2, k3 = jax.random.split(key, 3)
    input_ids = jax.random.randint(k1, (16384, 50), 0, VOCAB)
    table = jax.random.normal(k2, (VOCAB, D), dtype=jnp.float32) * 0.02
    common = jax.random.normal(k3, (1, D), dtype=jnp.float32) * 0.02
    gamma = jnp.ones((D,), dtype=jnp.float32)
    beta = jnp.zeros((D,), dtype=jnp.float32)
    return {"input_ids": input_ids, "table": table, "common": common, "gamma": gamma, "beta": beta}


def reference(input_ids, table, common, gamma, beta):
    # embeddings = entity_embeddings(input_ids)
    emb = jnp.take(table, input_ids, axis=0)
    # use_common_embedding: add entity_common_embedding(0)
    emb = emb + common[0]
    # LayerNorm over last dim with eps
    mean = jnp.mean(emb, axis=-1, keepdims=True)
    var = jnp.var(emb, axis=-1, keepdims=True)
    out = (emb - mean) / jnp.sqrt(var + EPS) * gamma + beta
    # dropout is identity in eval mode
    return out

if __name__ == "__main__":
    import jax
    _d = setup_inputs()
    print(jax.jit(kernel)(*tuple(_d.values())))

</pallas_src>

<mosaic_0001>
#map = affine_map<(d0, d1) -> (0, 0)>
module attributes {stable_mosaic.version = 14 : i64} {
  func.func @gather_kernel(%arg0: i32, %arg1: i32, %arg2: memref<3200x128xi32, #tpu.memory_space<hbm>>, %arg3: memref<507904x128xf32, #tpu.memory_space<hbm>>, %arg4: memref<409600x128xf32, #tpu.memory_space<hbm>>, %arg5: memref<100x128xi32, #tpu.memory_space<vmem>>, %arg6: memref<128x128xf32, #tpu.memory_space<vmem>>, %arg7: memref<128x128xf32, #tpu.memory_space<vmem>>, %arg8: memref<128x128xf32, #tpu.memory_space<vmem>>, %arg9: memref<128x128xf32, #tpu.memory_space<vmem>>, %arg10: memref<128x128xf32, #tpu.memory_space<vmem>>, %arg11: memref<!tpu.dma_semaphore, #tpu.memory_space<semaphore_mem>>, %arg12: memref<!tpu.dma_semaphore, #tpu.memory_space<semaphore_mem>>, %arg13: memref<!tpu.dma_semaphore, #tpu.memory_space<semaphore_mem>>, %arg14: memref<!tpu.dma_semaphore, #tpu.memory_space<semaphore_mem>>, %arg15: memref<!tpu.dma_semaphore, #tpu.memory_space<semaphore_mem>>, %arg16: memref<!tpu.dma_semaphore, #tpu.memory_space<semaphore_mem>>, %arg17: memref<!tpu.dma_semaphore, #tpu.memory_space<semaphore_mem>>, %arg18: memref<!tpu.dma_semaphore, #tpu.memory_space<semaphore_mem>>, %arg19: memref<!tpu.dma_semaphore, #tpu.memory_space<semaphore_mem>>, %arg20: memref<!tpu.dma_semaphore, #tpu.memory_space<semaphore_mem>>) attributes {dimension_semantics = [#tpu.dimension_semantics<core_parallel>, #tpu.dimension_semantics<subcore_parallel>], iteration_bounds = array<i64: 2, 16>, scalar_prefetch = 0 : i64, scratch_operands = 16 : i64, tpu.core_type = #tpu.core_type<sc_vector_subcore>, window_params = [{transform_indices = #map}, {transform_indices = #map}, {transform_indices = #map}]} {
    %mul3A = arith.constant 2 : i32
    %mul3A_0 = arith.muli %arg1, %mul3A : i32
    %add3A = arith.addi %mul3A_0, %arg0 : i32
    %mul3A_1 = arith.constant 100 : i32
    %mul3A_2 = arith.muli %add3A, %mul3A_1 : i32
    %mul3A_3 = arith.constant 128 : i32
    %mul3A_4 = arith.muli %mul3A_2, %mul3A_3 : i32
    "tpu.region"() ({
      %run_scoped3A = tpu.sem_alloc : memref<!tpu.dma_semaphore, #tpu.memory_space<semaphore_mem>>
      %dma_start3A_73 = arith.constant 0 : i32
      %dma_start3A_74 = tpu.memref_slice %arg2[%mul3A_2, %dma_start3A_73] : memref<3200x128xi32, #tpu.memory_space<hbm>> -> memref<100x128xi32, #tpu.memory_space<hbm>>
      %dma_start3A_75 = arith.constant 0 : i32
      %dma_start3A_76 = tpu.memref_slice %arg2[%mul3A_2, %dma_start3A_75] : memref<3200x128xi32, #tpu.memory_space<hbm>> -> memref<100x128xi32, #tpu.memory_space<hbm>>
      tpu.enqueue_dma source(%dma_start3A_76 : memref<100x128xi32, #tpu.memory_space<hbm>>) target(%arg5 : memref<100x128xi32, #tpu.memory_space<vmem>>) target_semaphore(%run_scoped3A : memref<!tpu.dma_semaphore, #tpu.memory_space<semaphore_mem>>)
      %dma_wait3A_77 = arith.constant 0 : i32
      %dma_wait3A_78 = tpu.memref_slice %arg2[%mul3A_2, %dma_wait3A_77] : memref<3200x128xi32, #tpu.memory_space<hbm>> -> memref<100x128xi32, #tpu.memory_space<hbm>>
      %dma_wait3A_79 = arith.constant 0 : i32
      %dma_wait3A_80 = tpu.memref_slice %arg2[%mul3A_2, %dma_wait3A_79] : memref<3200x128xi32, #tpu.memory_space<hbm>> -> memref<100x128xi32, #tpu.memory_space<hbm>>
      tpu.wait_dma2 semaphore(%run_scoped3A : memref<!tpu.dma_semaphore, #tpu.memory_space<semaphore_mem>>) src(%dma_wait3A_80 : memref<100x128xi32, #tpu.memory_space<hbm>>) dst(%arg5 : memref<100x128xi32, #tpu.memory_space<vmem>>)
      tpu.yield
    }) : () -> ()
    %dma_start3A = arith.constant 0 : i32
    %dma_start3A_5 = arith.constant 0 : i32
    %dma_start3A_6 = tpu.memref_slice %arg5[%dma_start3A, %dma_start3A_5] : memref<100x128xi32, #tpu.memory_space<vmem>> -> memref<1x128xi32, #tpu.memory_space<vmem>>
    %dma_start3A_7 = tpu.memref_squeeze %dma_start3A_6 : memref<1x128xi32, #tpu.memory_space<vmem>> -> memref<128xi32, #tpu.memory_space<vmem>>
    %dma_start3A_8 = arith.constant 0 : i32
    %dma_start3A_9 = arith.constant 0 : i32
    %dma_start3A_10 = tpu.memref_slice %arg3[%dma_start3A_8, %dma_start3A_9] : memref<507904x128xf32, #tpu.memory_space<hbm>> -> memref<507904x128xf32, #tpu.memory_space<hbm>>
    tpu.enqueue_indirect_dma source(%dma_start3A_10 : memref<507904x128xf32, #tpu.memory_space<hbm>>) target(%arg6 : memref<128x128xf32, #tpu.memory_space<vmem>>) offsets(%dma_start3A_7 : memref<128xi32, #tpu.memory_space<vmem>>) semaphore(%arg11 : memref<!tpu.dma_semaphore, #tpu.memory_space<semaphore_mem>>)
    %dma_start3A_11 = arith.constant 1 : i32
    %dma_start3A_12 = arith.constant 0 : i32
    %dma_start3A_13 = tpu.memref_slice %arg5[%dma_start3A_11, %dma_start3A_12] : memref<100x128xi32, #tpu.memory_space<vmem>> -> memref<1x128xi32, #tpu.memory_space<vmem>>
    %dma_start3A_14 = tpu.memref_squeeze %dma_start3A_13 : memref<1x128xi32, #tpu.memory_space<vmem>> -> memref<128xi32, #tpu.memory_space<vmem>>
    %dma_start3A_15 = arith.constant 0 : i32
    %dma_start3A_16 = arith.constant 0 : i32
    %dma_start3A_17 = tpu.memref_slice %arg3[%dma_start3A_15, %dma_start3A_16] : memref<507904x128xf32, #tpu.memory_space<hbm>> -> memref<507904x128xf32, #tpu.memory_space<hbm>>
    tpu.enqueue_indirect_dma source(%dma_start3A_17 : memref<507904x128xf32, #tpu.memory_space<hbm>>) target(%arg7 : memref<128x128xf32, #tpu.memory_space<vmem>>) offsets(%dma_start3A_14 : memref<128xi32, #tpu.memory_space<vmem>>) semaphore(%arg12 : memref<!tpu.dma_semaphore, #tpu.memory_space<semaphore_mem>>)
    %dma_start3A_18 = arith.constant 2 : i32
    %dma_start3A_19 = arith.constant 0 : i32
    %dma_start3A_20 = tpu.memref_slice %arg5[%dma_start3A_18, %dma_start3A_19] : memref<100x128xi32, #tpu.memory_space<vmem>> -> memref<1x128xi32, #tpu.memory_space<vmem>>
    %dma_start3A_21 = tpu.memref_squeeze %dma_start3A_20 : memref<1x128xi32, #tpu.memory_space<vmem>> -> memref<128xi32, #tpu.memory_space<vmem>>
    %dma_start3A_22 = arith.constant 0 : i32
    %dma_start3A_23 = arith.constant 0 : i32
    %dma_start3A_24 = tpu.memref_slice %arg3[%dma_start3A_22, %dma_start3A_23] : memref<507904x128xf32, #tpu.memory_space<hbm>> -> memref<507904x128xf32, #tpu.memory_space<hbm>>
    tpu.enqueue_indirect_dma source(%dma_start3A_24 : memref<507904x128xf32, #tpu.memory_space<hbm>>) target(%arg8 : memref<128x128xf32, #tpu.memory_space<vmem>>) offsets(%dma_start3A_21 : memref<128xi32, #tpu.memory_space<vmem>>) semaphore(%arg13 : memref<!tpu.dma_semaphore, #tpu.memory_space<semaphore_mem>>)
    %dma_start3A_25 = arith.constant 3 : i32
    %dma_start3A_26 = arith.constant 0 : i32
    %dma_start3A_27 = tpu.memref_slice %arg5[%dma_start3A_25, %dma_start3A_26] : memref<100x128xi32, #tpu.memory_space<vmem>> -> memref<1x128xi32, #tpu.memory_space<vmem>>
    %dma_start3A_28 = tpu.memref_squeeze %dma_start3A_27 : memref<1x128xi32, #tpu.memory_space<vmem>> -> memref<128xi32, #tpu.memory_space<vmem>>
    %dma_start3A_29 = arith.constant 0 : i32
    %dma_start3A_30 = arith.constant 0 : i32
    %dma_start3A_31 = tpu.memref_slice %arg3[%dma_start3A_29, %dma_start3A_30] : memref<507904x128xf32, #tpu.memory_space<hbm>> -> memref<507904x128xf32, #tpu.memory_space<hbm>>
    tpu.enqueue_indirect_dma source(%dma_start3A_31 : memref<507904x128xf32, #tpu.memory_space<hbm>>) target(%arg9 : memref<128x128xf32, #tpu.memory_space<vmem>>) offsets(%dma_start3A_28 : memref<128xi32, #tpu.memory_space<vmem>>) semaphore(%arg14 : memref<!tpu.dma_semaphore, #tpu.memory_space<semaphore_mem>>)
    %dma_start3A_32 = arith.constant 4 : i32
    %dma_start3A_33 = arith.constant 0 : i32
    %dma_start3A_34 = tpu.memref_slice %arg5[%dma_start3A_32, %dma_start3A_33] : memref<100x128xi32, #tpu.memory_space<vmem>> -> memref<1x128xi32, #tpu.memory_space<vmem>>
    %dma_start3A_35 = tpu.memref_squeeze %dma_start3A_34 : memref<1x128xi32, #tpu.memory_space<vmem>> -> memref<128xi32, #tpu.memory_space<vmem>>
    %dma_start3A_36 = arith.constant 0 : i32
    %dma_start3A_37 = arith.constant 0 : i32
    %dma_start3A_38 = tpu.memref_slice %arg3[%dma_start3A_36, %dma_start3A_37] : memref<507904x128xf32, #tpu.memory_space<hbm>> -> memref<507904x128xf32, #tpu.memory_space<hbm>>
    tpu.enqueue_indirect_dma source(%dma_start3A_38 : memref<507904x128xf32, #tpu.memory_space<hbm>>) target(%arg10 : memref<128x128xf32, #tpu.memory_space<vmem>>) offsets(%dma_start3A_35 : memref<128xi32, #tpu.memory_space<vmem>>) semaphore(%arg15 : memref<!tpu.dma_semaphore, #tpu.memory_space<semaphore_mem>>)
    %scan3A = arith.constant 0 : i32
    %scan3A_39 = arith.constant 0 : i32
    %scan3A_40 = arith.constant 20 : i32
    %scan3A_41 = arith.addi %scan3A_39, %scan3A_40 : i32
    %scan3A_42 = arith.constant 1 : i32
    scf.for %scan3A_73 = %scan3A_39 to %scan3A_41 step %scan3A_42  : i32 {
      %mul3A_74 = arith.constant 5 : i32
      %mul3A_75 = arith.muli %scan3A_73, %mul3A_74 : i32
      %add3A_76 = arith.constant 0 : i32
      %add3A_77 = arith.addi %mul3A_75, %add3A_76 : i32
      %dma_wait3A_78 = arith.constant 0 : i32
      %dma_wait3A_79 = tpu.memref_slice %arg5[%add3A_77, %dma_wait3A_78] : memref<100x128xi32, #tpu.memory_space<vmem>> -> memref<1x128xi32, #tpu.memory_space<vmem>>
      %dma_wait3A_80 = tpu.memref_squeeze %dma_wait3A_79 : memref<1x128xi32, #tpu.memory_space<vmem>> -> memref<128xi32, #tpu.memory_space<vmem>>
      %dma_wait3A_81 = arith.constant 0 : i32
      %dma_wait3A_82 = arith.constant 0 : i32
      %dma_wait3A_83 = tpu.memref_slice %arg3[%dma_wait3A_81, %dma_wait3A_82] : memref<507904x128xf32, #tpu.memory_space<hbm>> -> memref<507904x128xf32, #tpu.memory_space<hbm>>
      tpu.wait_indirect_dma semaphore(%arg11 : memref<!tpu.dma_semaphore, #tpu.memory_space<semaphore_mem>>) src(%dma_wait3A_83 : memref<507904x128xf32, #tpu.memory_space<hbm>>) dst(%arg6 : memref<128x128xf32, #tpu.memory_space<vmem>>)
      %mul3A_84 = arith.constant 128 : i32
      %mul3A_85 = arith.muli %add3A_77, %mul3A_84 : i32
      %add3A_86 = arith.addi %mul3A_4, %mul3A_85 : i32
      %dma_start3A_87 = arith.constant 0 : i32
      %dma_start3A_88 = tpu.memref_slice %arg4[%add3A_86, %dma_start3A_87] : memref<409600x128xf32, #tpu.memory_space<hbm>> -> memref<128x128xf32, #tpu.memory_space<hbm>>
      %dma_start3A_89 = arith.constant 0 : i32
      %dma_start3A_90 = tpu.memref_slice %arg4[%add3A_86, %dma_start3A_89] : memref<409600x128xf32, #tpu.memory_space<hbm>> -> memref<128x128xf32, #tpu.memory_space<hbm>>
      tpu.enqueue_dma source(%arg6 : memref<128x128xf32, #tpu.memory_space<vmem>>) target(%dma_start3A_90 : memref<128x128xf32, #tpu.memory_space<hbm>>) target_semaphore(%arg16 : memref<!tpu.dma_semaphore, #tpu.memory_space<semaphore_mem>>)
      %mul3A_91 = arith.constant 5 : i32
      %mul3A_92 = arith.muli %scan3A_73, %mul3A_91 : i32
      %add3A_93 = arith.constant 1 : i32
      %add3A_94 = arith.addi %mul3A_92, %add3A_93 : i32
      %dma_wait3A_95 = arith.constant 0 : i32
      %dma_wait3A_96 = tpu.memref_slice %arg5[%add3A_94, %dma_wait3A_95] : memref<100x128xi32, #tpu.memory_space<vmem>> -> memref<1x128xi32, #tpu.memory_space<vmem>>
      %dma_wait3A_97 = tpu.memref_squeeze %dma_wait3A_96 : memref<1x128xi32, #tpu.memory_space<vmem>> -> memref<128xi32, #tpu.memory_space<vmem>>
      %dma_wait3A_98 = arith.constant 0 : i32
      %dma_wait3A_99 = arith.constant 0 : i32
      %dma_wait3A_100 = tpu.memref_slice %arg3[%dma_wait3A_98, %dma_wait3A_99] : memref<507904x128xf32, #tpu.memory_space<hbm>> -> memref<507904x128xf32, #tpu.memory_space<hbm>>
      tpu.wait_indirect_dma semaphore(%arg12 : memref<!tpu.dma_semaphore, #tpu.memory_space<semaphore_mem>>) src(%dma_wait3A_100 : memref<507904x128xf32, #tpu.memory_space<hbm>>) dst(%arg7 : memref<128x128xf32, #tpu.memory_space<vmem>>)
      %mul3A_101 = arith.constant 128 : i32
      %mul3A_102 = arith.muli %add3A_94, %mul3A_101 : i32
      %add3A_103 = arith.addi %mul3A_4, %mul3A_102 : i32
      %dma_start3A_104 = arith.constant 0 : i32
      %dma_start3A_105 = tpu.memref_slice %arg4[%add3A_103, %dma_start3A_104] : memref<409600x128xf32, #tpu.memory_space<hbm>> -> memref<128x128xf32, #tpu.memory_space<hbm>>
      %dma_start3A_106 = arith.constant 0 : i32
      %dma_start3A_107 = tpu.memref_slice %arg4[%add3A_103, %dma_start3A_106] : memref<409600x128xf32, #tpu.memory_space<hbm>> -> memref<128x128xf32, #tpu.memory_space<hbm>>
      tpu.enqueue_dma source(%arg7 : memref<128x128xf32, #tpu.memory_space<vmem>>) target(%dma_start3A_107 : memref<128x128xf32, #tpu.memory_space<hbm>>) target_semaphore(%arg17 : memref<!tpu.dma_semaphore, #tpu.memory_space<semaphore_mem>>)
      %mul3A_108 = arith.constant 5 : i32
      %mul3A_109 = arith.muli %scan3A_73, %mul3A_108 : i32
      %add3A_110 = arith.constant 2 : i32
      %add3A_111 = arith.addi %mul3A_109, %add3A_110 : i32
      %dma_wait3A_112 = arith.constant 0 : i32
      %dma_wait3A_113 = tpu.memref_slice %arg5[%add3A_111, %dma_wait3A_112] : memref<100x128xi32, #tpu.memory_space<vmem>> -> memref<1x128xi32, #tpu.memory_space<vmem>>
      %dma_wait3A_114 = tpu.memref_squeeze %dma_wait3A_113 : memref<1x128xi32, #tpu.memory_space<vmem>> -> memref<128xi32, #tpu.memory_space<vmem>>
      %dma_wait3A_115 = arith.constant 0 : i32
      %dma_wait3A_116 = arith.constant 0 : i32
      %dma_wait3A_117 = tpu.memref_slice %arg3[%dma_wait3A_115, %dma_wait3A_116] : memref<507904x128xf32, #tpu.memory_space<hbm>> -> memref<507904x128xf32, #tpu.memory_space<hbm>>
      tpu.wait_indirect_dma semaphore(%arg13 : memref<!tpu.dma_semaphore, #tpu.memory_space<semaphore_mem>>) src(%dma_wait3A_117 : memref<507904x128xf32, #tpu.memory_space<hbm>>) dst(%arg8 : memref<128x128xf32, #tpu.memory_space<vmem>>)
      %mul3A_118 = arith.constant 128 : i32
      %mul3A_119 = arith.muli %add3A_111, %mul3A_118 : i32
      %add3A_120 = arith.addi %mul3A_4, %mul3A_119 : i32
      %dma_start3A_121 = arith.constant 0 : i32
      %dma_start3A_122 = tpu.memref_slice %arg4[%add3A_120, %dma_start3A_121] : memref<409600x128xf32, #tpu.memory_space<hbm>> -> memref<128x128xf32, #tpu.memory_space<hbm>>
      %dma_start3A_123 = arith.constant 0 : i32
      %dma_start3A_124 = tpu.memref_slice %arg4[%add3A_120, %dma_start3A_123] : memref<409600x128xf32, #tpu.memory_space<hbm>> -> memref<128x128xf32, #tpu.memory_space<hbm>>
      tpu.enqueue_dma source(%arg8 : memref<128x128xf32, #tpu.memory_space<vmem>>) target(%dma_start3A_124 : memref<128x128xf32, #tpu.memory_space<hbm>>) target_semaphore(%arg18 : memref<!tpu.dma_semaphore, #tpu.memory_space<semaphore_mem>>)
      %mul3A_125 = arith.constant 5 : i32
      %mul3A_126 = arith.muli %scan3A_73, %mul3A_125 : i32
      %add3A_127 = arith.constant 3 : i32
      %add3A_128 = arith.addi %mul3A_126, %add3A_127 : i32
      %dma_wait3A_129 = arith.constant 0 : i32
      %dma_wait3A_130 = tpu.memref_slice %arg5[%add3A_128, %dma_wait3A_129] : memref<100x128xi32, #tpu.memory_space<vmem>> -> memref<1x128xi32, #tpu.memory_space<vmem>>
      %dma_wait3A_131 = tpu.memref_squeeze %dma_wait3A_130 : memref<1x128xi32, #tpu.memory_space<vmem>> -> memref<128xi32, #tpu.memory_space<vmem>>
      %dma_wait3A_132 = arith.constant 0 : i32
      %dma_wait3A_133 = arith.constant 0 : i32
      %dma_wait3A_134 = tpu.memref_slice %arg3[%dma_wait3A_132, %dma_wait3A_133] : memref<507904x128xf32, #tpu.memory_space<hbm>> -> memref<507904x128xf32, #tpu.memory_space<hbm>>
      tpu.wait_indirect_dma semaphore(%arg14 : memref<!tpu.dma_semaphore, #tpu.memory_space<semaphore_mem>>) src(%dma_wait3A_134 : memref<507904x128xf32, #tpu.memory_space<hbm>>) dst(%arg9 : memref<128x128xf32, #tpu.memory_space<vmem>>)
      %mul3A_135 = arith.constant 128 : i32
      %mul3A_136 = arith.muli %add3A_128, %mul3A_135 : i32
      %add3A_137 = arith.addi %mul3A_4, %mul3A_136 : i32
      %dma_start3A_138 = arith.constant 0 : i32
      %dma_start3A_139 = tpu.memref_slice %arg4[%add3A_137, %dma_start3A_138] : memref<409600x128xf32, #tpu.memory_space<hbm>> -> memref<128x128xf32, #tpu.memory_space<hbm>>
      %dma_start3A_140 = arith.constant 0 : i32
      %dma_start3A_141 = tpu.memref_slice %arg4[%add3A_137, %dma_start3A_140] : memref<409600x128xf32, #tpu.memory_space<hbm>> -> memref<128x128xf32, #tpu.memory_space<hbm>>
      tpu.enqueue_dma source(%arg9 : memref<128x128xf32, #tpu.memory_space<vmem>>) target(%dma_start3A_141 : memref<128x128xf32, #tpu.memory_space<hbm>>) target_semaphore(%arg19 : memref<!tpu.dma_semaphore, #tpu.memory_space<semaphore_mem>>)
      %mul3A_142 = arith.constant 5 : i32
      %mul3A_143 = arith.muli %scan3A_73, %mul3A_142 : i32
      %add3A_144 = arith.constant 4 : i32
      %add3A_145 = arith.addi %mul3A_143, %add3A_144 : i32
      %dma_wait3A_146 = arith.constant 0 : i32
      %dma_wait3A_147 = tpu.memref_slice %arg5[%add3A_145, %dma_wait3A_146] : memref<100x128xi32, #tpu.memory_space<vmem>> -> memref<1x128xi32, #tpu.memory_space<vmem>>
      %dma_wait3A_148 = tpu.memref_squeeze %dma_wait3A_147 : memref<1x128xi32, #tpu.memory_space<vmem>> -> memref<128xi32, #tpu.memory_space<vmem>>
      %dma_wait3A_149 = arith.constant 0 : i32
      %dma_wait3A_150 = arith.constant 0 : i32
      %dma_wait3A_151 = tpu.memref_slice %arg3[%dma_wait3A_149, %dma_wait3A_150] : memref<507904x128xf32, #tpu.memory_space<hbm>> -> memref<507904x128xf32, #tpu.memory_space<hbm>>
      tpu.wait_indirect_dma semaphore(%arg15 : memref<!tpu.dma_semaphore, #tpu.memory_space<semaphore_mem>>) src(%dma_wait3A_151 : memref<507904x128xf32, #tpu.memory_space<hbm>>) dst(%arg10 : memref<128x128xf32, #tpu.memory_space<vmem>>)
      %mul3A_152 = arith.constant 128 : i32
      %mul3A_153 = arith.muli %add3A_145, %mul3A_152 : i32
      %add3A_154 = arith.addi %mul3A_4, %mul3A_153 : i32
      %dma_start3A_155 = arith.constant 0 : i32
      %dma_start3A_156 = tpu.memref_slice %arg4[%add3A_154, %dma_start3A_155] : memref<409600x128xf32, #tpu.memory_space<hbm>> -> memref<128x128xf32, #tpu.memory_space<hbm>>
      %dma_start3A_157 = arith.constant 0 : i32
      %dma_start3A_158 = tpu.memref_slice %arg4[%add3A_154, %dma_start3A_157] : memref<409600x128xf32, #tpu.memory_space<hbm>> -> memref<128x128xf32, #tpu.memory_space<hbm>>
      tpu.enqueue_dma source(%arg10 : memref<128x128xf32, #tpu.memory_space<vmem>>) target(%dma_start3A_158 : memref<128x128xf32, #tpu.memory_space<hbm>>) target_semaphore(%arg20 : memref<!tpu.dma_semaphore, #tpu.memory_space<semaphore_mem>>)
      %add3A_159 = arith.constant 1 : i32
      %add3A_160 = arith.addi %scan3A_73, %add3A_159 : i32
      %lt3A = arith.constant 20 : i32
      %lt3A_161 = arith.cmpi slt, %add3A_160, %lt3A : i32
      %convert_element_type3A = arith.extui %lt3A_161 : i1 to i32
      %cond3A = arith.constant 0 : i32
      %cond3A_162 = arith.cmpi ne, %convert_element_type3A, %cond3A : i32
      scf.if %cond3A_162 {
        %add3A_163 = arith.constant 1 : i32
        %add3A_164 = arith.addi %scan3A_73, %add3A_163 : i32
        %mul3A_165 = arith.constant 5 : i32
        %mul3A_166 = arith.muli %add3A_164, %mul3A_165 : i32
        %add3A_167 = arith.constant 0 : i32
        %add3A_168 = arith.addi %mul3A_166, %add3A_167 : i32
        %sub3A = arith.constant 5 : i32
        %sub3A_169 = arith.subi %add3A_168, %sub3A : i32
        %mul3A_170 = arith.constant 128 : i32
        %mul3A_171 = arith.muli %sub3A_169, %mul3A_170 : i32
        %add3A_172 = arith.addi %mul3A_4, %mul3A_171 : i32
        %dma_wait3A_173 = arith.constant 0 : i32
        %dma_wait3A_174 = tpu.memref_slice %arg4[%add3A_172, %dma_wait3A_173] : memref<409600x128xf32, #tpu.memory_space<hbm>> -> memref<128x128xf32, #tpu.memory_space<hbm>>
        %dma_wait3A_175 = arith.constant 0 : i32
        %dma_wait3A_176 = tpu.memref_slice %arg4[%add3A_172, %dma_wait3A_175] : memref<409600x128xf32, #tpu.memory_space<hbm>> -> memref<128x128xf32, #tpu.memory_space<hbm>>
        tpu.wait_dma2 semaphore(%arg16 : memref<!tpu.dma_semaphore, #tpu.memory_space<semaphore_mem>>) src(%arg6 : memref<128x128xf32, #tpu.memory_space<vmem>>) dst(%dma_wait3A_176 : memref<128x128xf32, #tpu.memory_space<hbm>>)
        %dma_start3A_177 = arith.constant 0 : i32
        %dma_start3A_178 = tpu.memref_slice %arg5[%add3A_168, %dma_start3A_177] : memref<100x128xi32, #tpu.memory_space<vmem>> -> memref<1x128xi32, #tpu.memory_space<vmem>>
        %dma_start3A_179 = tpu.memref_squeeze %dma_start3A_178 : memref<1x128xi32, #tpu.memory_space<vmem>> -> memref<128xi32, #tpu.memory_space<vmem>>
        %dma_start3A_180 = arith.constant 0 : i32
        %dma_start3A_181 = arith.constant 0 : i32
        %dma_start3A_182 = tpu.memref_slice %arg3[%dma_start3A_180, %dma_start3A_181] : memref<507904x128xf32, #tpu.memory_space<hbm>> -> memref<507904x128xf32, #tpu.memory_space<hbm>>
        tpu.enqueue_indirect_dma source(%dma_start3A_182 : memref<507904x128xf32, #tpu.memory_space<hbm>>) target(%arg6 : memref<128x128xf32, #tpu.memory_space<vmem>>) offsets(%dma_start3A_179 : memref<128xi32, #tpu.memory_space<vmem>>) semaphore(%arg11 : memref<!tpu.dma_semaphore, #tpu.memory_space<semaphore_mem>>)
        %add3A_183 = arith.constant 1 : i32
        %add3A_184 = arith.addi %scan3A_73, %add3A_183 : i32
        %mul3A_185 = arith.constant 5 : i32
        %mul3A_186 = arith.muli %add3A_184, %mul3A_185 : i32
        %add3A_187 = arith.constant 1 : i32
        %add3A_188 = arith.addi %mul3A_186, %add3A_187 : i32
        %sub3A_189 = arith.constant 5 : i32
        %sub3A_190 = arith.subi %add3A_188, %sub3A_189 : i32
        %mul3A_191 = arith.constant 128 : i32
        %mul3A_192 = arith.muli %sub3A_190, %mul3A_191 : i32
        %add3A_193 = arith.addi %mul3A_4, %mul3A_192 : i32
        %dma_wait3A_194 = arith.constant 0 : i32
        %dma_wait3A_195 = tpu.memref_slice %arg4[%add3A_193, %dma_wait3A_194] : memref<409600x128xf32, #tpu.memory_space<hbm>> -> memref<128x128xf32, #tpu.memory_space<hbm>>
        %dma_wait3A_196 = arith.constant 0 : i32
        %dma_wait3A_197 = tpu.memref_slice %arg4[%add3A_193, %dma_wait3A_196] : memref<409600x128xf32, #tpu.memory_space<hbm>> -> memref<128x128xf32, #tpu.memory_space<hbm>>
        tpu.wait_dma2 semaphore(%arg17 : memref<!tpu.dma_semaphore, #tpu.memory_space<semaphore_mem>>) src(%arg7 : memref<128x128xf32, #tpu.memory_space<vmem>>) dst(%dma_wait3A_197 : memref<128x128xf32, #tpu.memory_space<hbm>>)
        %dma_start3A_198 = arith.constant 0 : i32
        %dma_start3A_199 = tpu.memref_slice %arg5[%add3A_188, %dma_start3A_198] : memref<100x128xi32, #tpu.memory_space<vmem>> -> memref<1x128xi32, #tpu.memory_space<vmem>>
        %dma_start3A_200 = tpu.memref_squeeze %dma_start3A_199 : memref<1x128xi32, #tpu.memory_space<vmem>> -> memref<128xi32, #tpu.memory_space<vmem>>
        %dma_start3A_201 = arith.constant 0 : i32
        %dma_start3A_202 = arith.constant 0 : i32
        %dma_start3A_203 = tpu.memref_slice %arg3[%dma_start3A_201, %dma_start3A_202] : memref<507904x128xf32, #tpu.memory_space<hbm>> -> memref<507904x128xf32, #tpu.memory_space<hbm>>
        tpu.enqueue_indirect_dma source(%dma_start3A_203 : memref<507904x128xf32, #tpu.memory_space<hbm>>) target(%arg7 : memref<128x128xf32, #tpu.memory_space<vmem>>) offsets(%dma_start3A_200 : memref<128xi32, #tpu.memory_space<vmem>>) semaphore(%arg12 : memref<!tpu.dma_semaphore, #tpu.memory_space<semaphore_mem>>)
        %add3A_204 = arith.constant 1 : i32
        %add3A_205 = arith.addi %scan3A_73, %add3A_204 : i32
        %mul3A_206 = arith.constant 5 : i32
        %mul3A_207 = arith.muli %add3A_205, %mul3A_206 : i32
        %add3A_208 = arith.constant 2 : i32
        %add3A_209 = arith.addi %mul3A_207, %add3A_208 : i32
        %sub3A_210 = arith.constant 5 : i32
        %sub3A_211 = arith.subi %add3A_209, %sub3A_210 : i32
        %mul3A_212 = arith.constant 128 : i32
        %mul3A_213 = arith.muli %sub3A_211, %mul3A_212 : i32
        %add3A_214 = arith.addi %mul3A_4, %mul3A_213 : i32
        %dma_wait3A_215 = arith.constant 0 : i32
        %dma_wait3A_216 = tpu.memref_slice %arg4[%add3A_214, %dma_wait3A_215] : memref<409600x128xf32, #tpu.memory_space<hbm>> -> memref<128x128xf32, #tpu.memory_space<hbm>>
        %dma_wait3A_217 = arith.constant 0 : i32
        %dma_wait3A_218 = tpu.memref_slice %arg4[%add3A_214, %dma_wait3A_217] : memref<409600x128xf32, #tpu.memory_space<hbm>> -> memref<128x128xf32, #tpu.memory_space<hbm>>
        tpu.wait_dma2 semaphore(%arg18 : memref<!tpu.dma_semaphore, #tpu.memory_space<semaphore_mem>>) src(%arg8 : memref<128x128xf32, #tpu.memory_space<vmem>>) dst(%dma_wait3A_218 : memref<128x128xf32, #tpu.memory_space<hbm>>)
        %dma_start3A_219 = arith.constant 0 : i32
        %dma_start3A_220 = tpu.memref_slice %arg5[%add3A_209, %dma_start3A_219] : memref<100x128xi32, #tpu.memory_space<vmem>> -> memref<1x128xi32, #tpu.memory_space<vmem>>
        %dma_start3A_221 = tpu.memref_squeeze %dma_start3A_220 : memref<1x128xi32, #tpu.memory_space<vmem>> -> memref<128xi32, #tpu.memory_space<vmem>>
        %dma_start3A_222 = arith.constant 0 : i32
        %dma_start3A_223 = arith.constant 0 : i32
        %dma_start3A_224 = tpu.memref_slice %arg3[%dma_start3A_222, %dma_start3A_223] : memref<507904x128xf32, #tpu.memory_space<hbm>> -> memref<507904x128xf32, #tpu.memory_space<hbm>>
        tpu.enqueue_indirect_dma source(%dma_start3A_224 : memref<507904x128xf32, #tpu.memory_space<hbm>>) target(%arg8 : memref<128x128xf32, #tpu.memory_space<vmem>>) offsets(%dma_start3A_221 : memref<128xi32, #tpu.memory_space<vmem>>) semaphore(%arg13 : memref<!tpu.dma_semaphore, #tpu.memory_space<semaphore_mem>>)
        %add3A_225 = arith.constant 1 : i32
        %add3A_226 = arith.addi %scan3A_73, %add3A_225 : i32
        %mul3A_227 = arith.constant 5 : i32
        %mul3A_228 = arith.muli %add3A_226, %mul3A_227 : i32
        %add3A_229 = arith.constant 3 : i32
        %add3A_230 = arith.addi %mul3A_228, %add3A_229 : i32
        %sub3A_231 = arith.constant 5 : i32
        %sub3A_232 = arith.subi %add3A_230, %sub3A_231 : i32
        %mul3A_233 = arith.constant 128 : i32
        %mul3A_234 = arith.muli %sub3A_232, %mul3A_233 : i32
        %add3A_235 = arith.addi %mul3A_4, %mul3A_234 : i32
        %dma_wait3A_236 = arith.constant 0 : i32
        %dma_wait3A_237 = tpu.memref_slice %arg4[%add3A_235, %dma_wait3A_236] : memref<409600x128xf32, #tpu.memory_space<hbm>> -> memref<128x128xf32, #tpu.memory_space<hbm>>
        %dma_wait3A_238 = arith.constant 0 : i32
        %dma_wait3A_239 = tpu.memref_slice %arg4[%add3A_235, %dma_wait3A_238] : memref<409600x128xf32, #tpu.memory_space<hbm>> -> memref<128x128xf32, #tpu.memory_space<hbm>>
        tpu.wait_dma2 semaphore(%arg19 : memref<!tpu.dma_semaphore, #tpu.memory_space<semaphore_mem>>) src(%arg9 : memref<128x128xf32, #tpu.memory_space<vmem>>) dst(%dma_wait3A_239 : memref<128x128xf32, #tpu.memory_space<hbm>>)
        %dma_start3A_240 = arith.constant 0 : i32
        %dma_start3A_241 = tpu.memref_slice %arg5[%add3A_230, %dma_start3A_240] : memref<100x128xi32, #tpu.memory_space<vmem>> -> memref<1x128xi32, #tpu.memory_space<vmem>>
        %dma_start3A_242 = tpu.memref_squeeze %dma_start3A_241 : memref<1x128xi32, #tpu.memory_space<vmem>> -> memref<128xi32, #tpu.memory_space<vmem>>
        %dma_start3A_243 = arith.constant 0 : i32
        %dma_start3A_244 = arith.constant 0 : i32
        %dma_start3A_245 = tpu.memref_slice %arg3[%dma_start3A_243, %dma_start3A_244] : memref<507904x128xf32, #tpu.memory_space<hbm>> -> memref<507904x128xf32, #tpu.memory_space<hbm>>
        tpu.enqueue_indirect_dma source(%dma_start3A_245 : memref<507904x128xf32, #tpu.memory_space<hbm>>) target(%arg9 : memref<128x128xf32, #tpu.memory_space<vmem>>) offsets(%dma_start3A_242 : memref<128xi32, #tpu.memory_space<vmem>>) semaphore(%arg14 : memref<!tpu.dma_semaphore, #tpu.memory_space<semaphore_mem>>)
        %add3A_246 = arith.constant 1 : i32
        %add3A_247 = arith.addi %scan3A_73, %add3A_246 : i32
        %mul3A_248 = arith.constant 5 : i32
        %mul3A_249 = arith.muli %add3A_247, %mul3A_248 : i32
        %add3A_250 = arith.constant 4 : i32
        %add3A_251 = arith.addi %mul3A_249, %add3A_250 : i32
        %sub3A_252 = arith.constant 5 : i32
        %sub3A_253 = arith.subi %add3A_251, %sub3A_252 : i32
        %mul3A_254 = arith.constant 128 : i32
        %mul3A_255 = arith.muli %sub3A_253, %mul3A_254 : i32
        %add3A_256 = arith.addi %mul3A_4, %mul3A_255 : i32
        %dma_wait3A_257 = arith.constant 0 : i32
        %dma_wait3A_258 = tpu.memref_slice %arg4[%add3A_256, %dma_wait3A_257] : memref<409600x128xf32, #tpu.memory_space<hbm>> -> memref<128x128xf32, #tpu.memory_space<hbm>>
        %dma_wait3A_259 = arith.constant 0 : i32
        %dma_wait3A_260 = tpu.memref_slice %arg4[%add3A_256, %dma_wait3A_259] : memref<409600x128xf32, #tpu.memory_space<hbm>> -> memref<128x128xf32, #tpu.memory_space<hbm>>
        tpu.wait_dma2 semaphore(%arg20 : memref<!tpu.dma_semaphore, #tpu.memory_space<semaphore_mem>>) src(%arg10 : memref<128x128xf32, #tpu.memory_space<vmem>>) dst(%dma_wait3A_260 : memref<128x128xf32, #tpu.memory_space<hbm>>)
        %dma_start3A_261 = arith.constant 0 : i32
        %dma_start3A_262 = tpu.memref_slice %arg5[%add3A_251, %dma_start3A_261] : memref<100x128xi32, #tpu.memory_space<vmem>> -> memref<1x128xi32, #tpu.memory_space<vmem>>
        %dma_start3A_263 = tpu.memref_squeeze %dma_start3A_262 : memref<1x128xi32, #tpu.memory_space<vmem>> -> memref<128xi32, #tpu.memory_space<vmem>>
        %dma_start3A_264 = arith.constant 0 : i32
        %dma_start3A_265 = arith.constant 0 : i32
        %dma_start3A_266 = tpu.memref_slice %arg3[%dma_start3A_264, %dma_start3A_265] : memref<507904x128xf32, #tpu.memory_space<hbm>> -> memref<507904x128xf32, #tpu.memory_space<hbm>>
        tpu.enqueue_indirect_dma source(%dma_start3A_266 : memref<507904x128xf32, #tpu.memory_space<hbm>>) target(%arg10 : memref<128x128xf32, #tpu.memory_space<vmem>>) offsets(%dma_start3A_263 : memref<128xi32, #tpu.memory_space<vmem>>) semaphore(%arg15 : memref<!tpu.dma_semaphore, #tpu.memory_space<semaphore_mem>>)
      } else {
      }
    }
    %scan3A_43 = arith.constant 20 : i32
    %add3A_44 = arith.constant 12160 : i32
    %add3A_45 = arith.addi %mul3A_4, %add3A_44 : i32
    %dma_wait3A = arith.constant 0 : i32
    %dma_wait3A_46 = tpu.memref_slice %arg4[%add3A_45, %dma_wait3A] : memref<409600x128xf32, #tpu.memory_space<hbm>> -> memref<128x128xf32, #tpu.memory_space<hbm>>
    %dma_wait3A_47 = arith.constant 0 : i32
    %dma_wait3A_48 = tpu.memref_slice %arg4[%add3A_45, %dma_wait3A_47] : memref<409600x128xf32, #tpu.memory_space<hbm>> -> memref<128x128xf32, #tpu.memory_space<hbm>>
    tpu.wait_dma2 semaphore(%arg16 : memref<!tpu.dma_semaphore, #tpu.memory_space<semaphore_mem>>) src(%arg6 : memref<128x128xf32, #tpu.memory_space<vmem>>) dst(%dma_wait3A_48 : memref<128x128xf32, #tpu.memory_space<hbm>>)
    %add3A_49 = arith.constant 12288 : i32
    %add3A_50 = arith.addi %mul3A_4, %add3A_49 : i32
    %dma_wait3A_51 = arith.constant 0 : i32
    %dma_wait3A_52 = tpu.memref_slice %arg4[%add3A_50, %dma_wait3A_51] : memref<409600x128xf32, #tpu.memory_space<hbm>> -> memref<128x128xf32, #tpu.memory_space<hbm>>
    %dma_wait3A_53 = arith.constant 0 : i32
    %dma_wait3A_54 = tpu.memref_slice %arg4[%add3A_50, %dma_wait3A_53] : memref<409600x128xf32, #tpu.memory_space<hbm>> -> memref<128x128xf32, #tpu.memory_space<hbm>>
    tpu.wait_dma2 semaphore(%arg17 : memref<!tpu.dma_semaphore, #tpu.memory_space<semaphore_mem>>) src(%arg7 : memref<128x128xf32, #tpu.memory_space<vmem>>) dst(%dma_wait3A_54 : memref<128x128xf32, #tpu.memory_space<hbm>>)
    %add3A_55 = arith.constant 12416 : i32
    %add3A_56 = arith.addi %mul3A_4, %add3A_55 : i32
    %dma_wait3A_57 = arith.constant 0 : i32
    %dma_wait3A_58 = tpu.memref_slice %arg4[%add3A_56, %dma_wait3A_57] : memref<409600x128xf32, #tpu.memory_space<hbm>> -> memref<128x128xf32, #tpu.memory_space<hbm>>
    %dma_wait3A_59 = arith.constant 0 : i32
    %dma_wait3A_60 = tpu.memref_slice %arg4[%add3A_56, %dma_wait3A_59] : memref<409600x128xf32, #tpu.memory_space<hbm>> -> memref<128x128xf32, #tpu.memory_space<hbm>>
    tpu.wait_dma2 semaphore(%arg18 : memref<!tpu.dma_semaphore, #tpu.memory_space<semaphore_mem>>) src(%arg8 : memref<128x128xf32, #tpu.memory_space<vmem>>) dst(%dma_wait3A_60 : memref<128x128xf32, #tpu.memory_space<hbm>>)
    %add3A_61 = arith.constant 12544 : i32
    %add3A_62 = arith.addi %mul3A_4, %add3A_61 : i32
    %dma_wait3A_63 = arith.constant 0 : i32
    %dma_wait3A_64 = tpu.memref_slice %arg4[%add3A_62, %dma_wait3A_63] : memref<409600x128xf32, #tpu.memory_space<hbm>> -> memref<128x128xf32, #tpu.memory_space<hbm>>
    %dma_wait3A_65 = arith.constant 0 : i32
    %dma_wait3A_66 = tpu.memref_slice %arg4[%add3A_62, %dma_wait3A_65] : memref<409600x128xf32, #tpu.memory_space<hbm>> -> memref<128x128xf32, #tpu.memory_space<hbm>>
    tpu.wait_dma2 semaphore(%arg19 : memref<!tpu.dma_semaphore, #tpu.memory_space<semaphore_mem>>) src(%arg9 : memref<128x128xf32, #tpu.memory_space<vmem>>) dst(%dma_wait3A_66 : memref<128x128xf32, #tpu.memory_space<hbm>>)
    %add3A_67 = arith.constant 12672 : i32
    %add3A_68 = arith.addi %mul3A_4, %add3A_67 : i32
    %dma_wait3A_69 = arith.constant 0 : i32
    %dma_wait3A_70 = tpu.memref_slice %arg4[%add3A_68, %dma_wait3A_69] : memref<409600x128xf32, #tpu.memory_space<hbm>> -> memref<128x128xf32, #tpu.memory_space<hbm>>
    %dma_wait3A_71 = arith.constant 0 : i32
    %dma_wait3A_72 = tpu.memref_slice %arg4[%add3A_68, %dma_wait3A_71] : memref<409600x128xf32, #tpu.memory_space<hbm>> -> memref<128x128xf32, #tpu.memory_space<hbm>>
    tpu.wait_dma2 semaphore(%arg20 : memref<!tpu.dma_semaphore, #tpu.memory_space<semaphore_mem>>) src(%arg10 : memref<128x128xf32, #tpu.memory_space<vmem>>) dst(%dma_wait3A_72 : memref<128x128xf32, #tpu.memory_space<hbm>>)
    return
  }
}

#map = affine_map<(d0, d1) -> (0, 0)>
module attributes {stable_mosaic.version = 14 : i64} {
  func.func @gather_kernel(%arg0: i32, %arg1: i32, %arg2: memref<3200x128xi32, #tpu.memory_space<hbm>>, %arg3: memref<507904x128xf32, #tpu.memory_space<hbm>>, %arg4: memref<409600x128xf32, #tpu.memory_space<hbm>>, %arg5: memref<100x128xi32, #tpu.memory_space<vmem>>, %arg6: memref<128x128xf32, #tpu.memory_space<vmem>>, %arg7: memref<128x128xf32, #tpu.memory_space<vmem>>, %arg8: memref<128x128xf32, #tpu.memory_space<vmem>>, %arg9: memref<128x128xf32, #tpu.memory_space<vmem>>, %arg10: memref<128x128xf32, #tpu.memory_space<vmem>>, %arg11: memref<!tpu.dma_semaphore, #tpu.memory_space<semaphore_mem>>, %arg12: memref<!tpu.dma_semaphore, #tpu.memory_space<semaphore_mem>>, %arg13: memref<!tpu.dma_semaphore, #tpu.memory_space<semaphore_mem>>, %arg14: memref<!tpu.dma_semaphore, #tpu.memory_space<semaphore_mem>>, %arg15: memref<!tpu.dma_semaphore, #tpu.memory_space<semaphore_mem>>, %arg16: memref<!tpu.dma_semaphore, #tpu.memory_space<semaphore_mem>>, %arg17: memref<!tpu.dma_semaphore, #tpu.memory_space<semaphore_mem>>, %arg18: memref<!tpu.dma_semaphore, #tpu.memory_space<semaphore_mem>>, %arg19: memref<!tpu.dma_semaphore, #tpu.memory_space<semaphore_mem>>, %arg20: memref<!tpu.dma_semaphore, #tpu.memory_space<semaphore_mem>>) attributes {dimension_semantics = [#tpu.dimension_semantics<core_parallel>, #tpu.dimension_semantics<subcore_parallel>], iteration_bounds = array<i64: 2, 16>, scalar_prefetch = 0 : i64, scratch_operands = 16 : i64, tpu.core_type = #tpu.core_type<sc_vector_subcore>, window_params = [{transform_indices = #map}, {transform_indices = #map}, {transform_indices = #map}]} {
    %mul3A = arith.constant 2 : i32
    %mul3A_0 = arith.muli %arg1, %mul3A : i32
    %add3A = arith.addi %mul3A_0, %arg0 : i32
    %mul3A_1 = arith.constant 100 : i32
    %mul3A_2 = arith.muli %add3A, %mul3A_1 : i32
    %mul3A_3 = arith.constant 128 : i32
    %mul3A_4 = arith.muli %mul3A_2, %mul3A_3 : i32
    "tpu.region"() ({
      %run_scoped3A = tpu.sem_alloc : memref<!tpu.dma_semaphore, #tpu.memory_space<semaphore_mem>>
      %dma_start3A_73 = arith.constant 0 : i32
      %dma_start3A_74 = tpu.memref_slice %arg2[%mul3A_2, %dma_start3A_73] : memref<3200x128xi32, #tpu.memory_space<hbm>> -> memref<100x128xi32, #tpu.memory_space<hbm>>
      %dma_start3A_75 = arith.constant 0 : i32
      %dma_start3A_76 = tpu.memref_slice %arg2[%mul3A_2, %dma_start3A_75] : memref<3200x128xi32, #tpu.memory_space<hbm>> -> memref<100x128xi32, #tpu.memory_space<hbm>>
      tpu.enqueue_dma source(%dma_start3A_76 : memref<100x128xi32, #tpu.memory_space<hbm>>) target(%arg5 : memref<100x128xi32, #tpu.memory_space<vmem>>) target_semaphore(%run_scoped3A : memref<!tpu.dma_semaphore, #tpu.memory_space<semaphore_mem>>)
      %dma_wait3A_77 = arith.constant 0 : i32
      %dma_wait3A_78 = tpu.memref_slice %arg2[%mul3A_2, %dma_wait3A_77] : memref<3200x128xi32, #tpu.memory_space<hbm>> -> memref<100x128xi32, #tpu.memory_space<hbm>>
      %dma_wait3A_79 = arith.constant 0 : i32
      %dma_wait3A_80 = tpu.memref_slice %arg2[%mul3A_2, %dma_wait3A_79] : memref<3200x128xi32, #tpu.memory_space<hbm>> -> memref<100x128xi32, #tpu.memory_space<hbm>>
      tpu.wait_dma2 semaphore(%run_scoped3A : memref<!tpu.dma_semaphore, #tpu.memory_space<semaphore_mem>>) src(%dma_wait3A_80 : memref<100x128xi32, #tpu.memory_space<hbm>>) dst(%arg5 : memref<100x128xi32, #tpu.memory_space<vmem>>)
      tpu.yield
    }) : () -> ()
    %dma_start3A = arith.constant 0 : i32
    %dma_start3A_5 = arith.constant 0 : i32
    %dma_start3A_6 = tpu.memref_slice %arg5[%dma_start3A, %dma_start3A_5] : memref<100x128xi32, #tpu.memory_space<vmem>> -> memref<1x128xi32, #tpu.memory_space<vmem>>
    %dma_start3A_7 = tpu.memref_squeeze %dma_start3A_6 : memref<1x128xi32, #tpu.memory_space<vmem>> -> memref<128xi32, #tpu.memory_space<vmem>>
    %dma_start3A_8 = arith.constant 0 : i32
    %dma_start3A_9 = arith.constant 0 : i32
    %dma_start3A_10 = tpu.memref_slice %arg3[%dma_start3A_8, %dma_start3A_9] : memref<507904x128xf32, #tpu.memory_space<hbm>> -> memref<507904x128xf32, #tpu.memory_space<hbm>>
    tpu.enqueue_indirect_dma source(%dma_start3A_10 : memref<507904x128xf32, #tpu.memory_space<hbm>>) target(%arg6 : memref<128x128xf32, #tpu.memory_space<vmem>>) offsets(%dma_start3A_7 : memref<128xi32, #tpu.memory_space<vmem>>) semaphore(%arg11 : memref<!tpu.dma_semaphore, #tpu.memory_space<semaphore_mem>>)
    %dma_start3A_11 = arith.constant 1 : i32
    %dma_start3A_12 = arith.constant 0 : i32
    %dma_start3A_13 = tpu.memref_slice %arg5[%dma_start3A_11, %dma_start3A_12] : memref<100x128xi32, #tpu.memory_space<vmem>> -> memref<1x128xi32, #tpu.memory_space<vmem>>
    %dma_start3A_14 = tpu.memref_squeeze %dma_start3A_13 : memref<1x128xi32, #tpu.memory_space<vmem>> -> memref<128xi32, #tpu.memory_space<vmem>>
    %dma_start3A_15 = arith.constant 0 : i32
    %dma_start3A_16 = arith.constant 0 : i32
    %dma_start3A_17 = tpu.memref_slice %arg3[%dma_start3A_15, %dma_start3A_16] : memref<507904x128xf32, #tpu.memory_space<hbm>> -> memref<507904x128xf32, #tpu.memory_space<hbm>>
    tpu.enqueue_indirect_dma source(%dma_start3A_17 : memref<507904x128xf32, #tpu.memory_space<hbm>>) target(%arg7 : memref<128x128xf32, #tpu.memory_space<vmem>>) offsets(%dma_start3A_14 : memref<128xi32, #tpu.memory_space<vmem>>) semaphore(%arg12 : memref<!tpu.dma_semaphore, #tpu.memory_space<semaphore_mem>>)
    %dma_start3A_18 = arith.constant 2 : i32
    %dma_start3A_19 = arith.constant 0 : i32
    %dma_start3A_20 = tpu.memref_slice %arg5[%dma_start3A_18, %dma_start3A_19] : memref<100x128xi32, #tpu.memory_space<vmem>> -> memref<1x128xi32, #tpu.memory_space<vmem>>
    %dma_start3A_21 = tpu.memref_squeeze %dma_start3A_20 : memref<1x128xi32, #tpu.memory_space<vmem>> -> memref<128xi32, #tpu.memory_space<vmem>>
    %dma_start3A_22 = arith.constant 0 : i32
    %dma_start3A_23 = arith.constant 0 : i32
    %dma_start3A_24 = tpu.memref_slice %arg3[%dma_start3A_22, %dma_start3A_23] : memref<507904x128xf32, #tpu.memory_space<hbm>> -> memref<507904x128xf32, #tpu.memory_space<hbm>>
    tpu.enqueue_indirect_dma source(%dma_start3A_24 : memref<507904x128xf32, #tpu.memory_space<hbm>>) target(%arg8 : memref<128x128xf32, #tpu.memory_space<vmem>>) offsets(%dma_start3A_21 : memref<128xi32, #tpu.memory_space<vmem>>) semaphore(%arg13 : memref<!tpu.dma_semaphore, #tpu.memory_space<semaphore_mem>>)
    %dma_start3A_25 = arith.constant 3 : i32
    %dma_start3A_26 = arith.constant 0 : i32
    %dma_start3A_27 = tpu.memref_slice %arg5[%dma_start3A_25, %dma_start3A_26] : memref<100x128xi32, #tpu.memory_space<vmem>> -> memref<1x128xi32, #tpu.memory_space<vmem>>
    %dma_start3A_28 = tpu.memref_squeeze %dma_start3A_27 : memref<1x128xi32, #tpu.memory_space<vmem>> -> memref<128xi32, #tpu.memory_space<vmem>>
    %dma_start3A_29 = arith.constant 0 : i32
    %dma_start3A_30 = arith.constant 0 : i32
    %dma_start3A_31 = tpu.memref_slice %arg3[%dma_start3A_29, %dma_start3A_30] : memref<507904x128xf32, #tpu.memory_space<hbm>> -> memref<507904x128xf32, #tpu.memory_space<hbm>>
    tpu.enqueue_indirect_dma source(%dma_start3A_31 : memref<507904x128xf32, #tpu.memory_space<hbm>>) target(%arg9 : memref<128x128xf32, #tpu.memory_space<vmem>>) offsets(%dma_start3A_28 : memref<128xi32, #tpu.memory_space<vmem>>) semaphore(%arg14 : memref<!tpu.dma_semaphore, #tpu.memory_space<semaphore_mem>>)
    %dma_start3A_32 = arith.constant 4 : i32
    %dma_start3A_33 = arith.constant 0 : i32
    %dma_start3A_34 = tpu.memref_slice %arg5[%dma_start3A_32, %dma_start3A_33] : memref<100x128xi32, #tpu.memory_space<vmem>> -> memref<1x128xi32, #tpu.memory_space<vmem>>
    %dma_start3A_35 = tpu.memref_squeeze %dma_start3A_34 : memref<1x128xi32, #tpu.memory_space<vmem>> -> memref<128xi32, #tpu.memory_space<vmem>>
    %dma_start3A_36 = arith.constant 0 : i32
    %dma_start3A_37 = arith.constant 0 : i32
    %dma_start3A_38 = tpu.memref_slice %arg3[%dma_start3A_36, %dma_start3A_37] : memref<507904x128xf32, #tpu.memory_space<hbm>> -> memref<507904x128xf32, #tpu.memory_space<hbm>>
    tpu.enqueue_indirect_dma source(%dma_start3A_38 : memref<507904x128xf32, #tpu.memory_space<hbm>>) target(%arg10 : memref<128x128xf32, #tpu.memory_space<vmem>>) offsets(%dma_start3A_35 : memref<128xi32, #tpu.memory_space<vmem>>) semaphore(%arg15 : memref<!tpu.dma_semaphore, #tpu.memory_space<semaphore_mem>>)
    %scan3A = arith.constant 0 : i32
    %scan3A_39 = arith.constant 0 : i32
    %scan3A_40 = arith.constant 20 : i32
    %scan3A_41 = arith.addi %scan3A_39, %scan3A_40 : i32
    %scan3A_42 = arith.constant 1 : i32
    scf.for %scan3A_73 = %scan3A_39 to %scan3A_41 step %scan3A_42  : i32 {
      %mul3A_74 = arith.constant 5 : i32
      %mul3A_75 = arith.muli %scan3A_73, %mul3A_74 : i32
      %add3A_76 = arith.constant 0 : i32
      %add3A_77 = arith.addi %mul3A_75, %add3A_76 : i32
      %dma_wait3A_78 = arith.constant 0 : i32
      %dma_wait3A_79 = tpu.memref_slice %arg5[%add3A_77, %dma_wait3A_78] : memref<100x128xi32, #tpu.memory_space<vmem>> -> memref<1x128xi32, #tpu.memory_space<vmem>>
      %dma_wait3A_80 = tpu.memref_squeeze %dma_wait3A_79 : memref<1x128xi32, #tpu.memory_space<vmem>> -> memref<128xi32, #tpu.memory_space<vmem>>
      %dma_wait3A_81 = arith.constant 0 : i32
      %dma_wait3A_82 = arith.constant 0 : i32
      %dma_wait3A_83 = tpu.memref_slice %arg3[%dma_wait3A_81, %dma_wait3A_82] : memref<507904x128xf32, #tpu.memory_space<hbm>> -> memref<507904x128xf32, #tpu.memory_space<hbm>>
      tpu.wait_indirect_dma semaphore(%arg11 : memref<!tpu.dma_semaphore, #tpu.memory_space<semaphore_mem>>) src(%dma_wait3A_83 : memref<507904x128xf32, #tpu.memory_space<hbm>>) dst(%arg6 : memref<128x128xf32, #tpu.memory_space<vmem>>)
      %mul3A_84 = arith.constant 128 : i32
      %mul3A_85 = arith.muli %add3A_77, %mul3A_84 : i32
      %add3A_86 = arith.addi %mul3A_4, %mul3A_85 : i32
      %dma_start3A_87 = arith.constant 0 : i32
      %dma_start3A_88 = tpu.memref_slice %arg4[%add3A_86, %dma_start3A_87] : memref<409600x128xf32, #tpu.memory_space<hbm>> -> memref<128x128xf32, #tpu.memory_space<hbm>>
      %dma_start3A_89 = arith.constant 0 : i32
      %dma_start3A_90 = tpu.memref_slice %arg4[%add3A_86, %dma_start3A_89] : memref<409600x128xf32, #tpu.memory_space<hbm>> -> memref<128x128xf32, #tpu.memory_space<hbm>>
      tpu.enqueue_dma source(%arg6 : memref<128x128xf32, #tpu.memory_space<vmem>>) target(%dma_start3A_90 : memref<128x128xf32, #tpu.memory_space<hbm>>) target_semaphore(%arg16 : memref<!tpu.dma_semaphore, #tpu.memory_space<semaphore_mem>>)
      %mul3A_91 = arith.constant 5 : i32
      %mul3A_92 = arith.muli %scan3A_73, %mul3A_91 : i32
      %add3A_93 = arith.constant 1 : i32
      %add3A_94 = arith.addi %mul3A_92, %add3A_93 : i32
      %dma_wait3A_95 = arith.constant 0 : i32
      %dma_wait3A_96 = tpu.memref_slice %arg5[%add3A_94, %dma_wait3A_95] : memref<100x128xi32, #tpu.memory_space<vmem>> -> memref<1x128xi32, #tpu.memory_space<vmem>>
      %dma_wait3A_97 = tpu.memref_squeeze %dma_wait3A_96 : memref<1x128xi32, #tpu.memory_space<vmem>> -> memref<128xi32, #tpu.memory_space<vmem>>
      %dma_wait3A_98 = arith.constant 0 : i32
      %dma_wait3A_99 = arith.constant 0 : i32
      %dma_wait3A_100 = tpu.memref_slice %arg3[%dma_wait3A_98, %dma_wait3A_99] : memref<507904x128xf32, #tpu.memory_space<hbm>> -> memref<507904x128xf32, #tpu.memory_space<hbm>>
      tpu.wait_indirect_dma semaphore(%arg12 : memref<!tpu.dma_semaphore, #tpu.memory_space<semaphore_mem>>) src(%dma_wait3A_100 : memref<507904x128xf32, #tpu.memory_space<hbm>>) dst(%arg7 : memref<128x128xf32, #tpu.memory_space<vmem>>)
      %mul3A_101 = arith.constant 128 : i32
      %mul3A_102 = arith.muli %add3A_94, %mul3A_101 : i32
      %add3A_103 = arith.addi %mul3A_4, %mul3A_102 : i32
      %dma_start3A_104 = arith.constant 0 : i32
      %dma_start3A_105 = tpu.memref_slice %arg4[%add3A_103, %dma_start3A_104] : memref<409600x128xf32, #tpu.memory_space<hbm>> -> memref<128x128xf32, #tpu.memory_space<hbm>>
      %dma_start3A_106 = arith.constant 0 : i32
      %dma_start3A_107 = tpu.memref_slice %arg4[%add3A_103, %dma_start3A_106] : memref<409600x128xf32, #tpu.memory_space<hbm>> -> memref<128x128xf32, #tpu.memory_space<hbm>>
      tpu.enqueue_dma source(%arg7 : memref<128x128xf32, #tpu.memory_space<vmem>>) target(%dma_start3A_107 : memref<128x128xf32, #tpu.memory_space<hbm>>) target_semaphore(%arg17 : memref<!tpu.dma_semaphore, #tpu.memory_space<semaphore_mem>>)
      %mul3A_108 = arith.constant 5 : i32
      %mul3A_109 = arith.muli %scan3A_73, %mul3A_108 : i32
      %add3A_110 = arith.constant 2 : i32
      %add3A_111 = arith.addi %mul3A_109, %add3A_110 : i32
      %dma_wait3A_112 = arith.constant 0 : i32
      %dma_wait3A_113 = tpu.memref_slice %arg5[%add3A_111, %dma_wait3A_112] : memref<100x128xi32, #tpu.memory_space<vmem>> -> memref<1x128xi32, #tpu.memory_space<vmem>>
      %dma_wait3A_114 = tpu.memref_squeeze %dma_wait3A_113 : memref<1x128xi32, #tpu.memory_space<vmem>> -> memref<128xi32, #tpu.memory_space<vmem>>
      %dma_wait3A_115 = arith.constant 0 : i32
      %dma_wait3A_116 = arith.constant 0 : i32
      %dma_wait3A_117 = tpu.memref_slice %arg3[%dma_wait3A_115, %dma_wait3A_116] : memref<507904x128xf32, #tpu.memory_space<hbm>> -> memref<507904x128xf32, #tpu.memory_space<hbm>>
      tpu.wait_indirect_dma semaphore(%arg13 : memref<!tpu.dma_semaphore, #tpu.memory_space<semaphore_mem>>) src(%dma_wait3A_117 : memref<507904x128xf32, #tpu.memory_space<hbm>>) dst(%arg8 : memref<128x128xf32, #tpu.memory_space<vmem>>)
      %mul3A_118 = arith.constant 128 : i32
      %mul3A_119 = arith.muli %add3A_111, %mul3A_118 : i32
      %add3A_120 = arith.addi %mul3A_4, %mul3A_119 : i32
      %dma_start3A_121 = arith.constant 0 : i32
      %dma_start3A_122 = tpu.memref_slice %arg4[%add3A_120, %dma_start3A_121] : memref<409600x128xf32, #tpu.memory_space<hbm>> -> memref<128x128xf32, #tpu.memory_space<hbm>>
      %dma_start3A_123 = arith.constant 0 : i32
      %dma_start3A_124 = tpu.memref_slice %arg4[%add3A_120, %dma_start3A_123] : memref<409600x128xf32, #tpu.memory_space<hbm>> -> memref<128x128xf32, #tpu.memory_space<hbm>>
      tpu.enqueue_dma source(%arg8 : memref<128x128xf32, #tpu.memory_space<vmem>>) target(%dma_start3A_124 : memref<128x128xf32, #tpu.memory_space<hbm>>) target_semaphore(%arg18 : memref<!tpu.dma_semaphore, #tpu.memory_space<semaphore_mem>>)
      %mul3A_125 = arith.constant 5 : i32
      %mul3A_126 = arith.muli %scan3A_73, %mul3A_125 : i32
      %add3A_127 = arith.constant 3 : i32
      %add3A_128 = arith.addi %mul3A_126, %add3A_127 : i32
      %dma_wait3A_129 = arith.constant 0 : i32
      %dma_wait3A_130 = tpu.memref_slice %arg5[%add3A_128, %dma_wait3A_129] : memref<100x128xi32, #tpu.memory_space<vmem>> -> memref<1x128xi32, #tpu.memory_space<vmem>>
      %dma_wait3A_131 = tpu.memref_squeeze %dma_wait3A_130 : memref<1x128xi32, #tpu.memory_space<vmem>> -> memref<128xi32, #tpu.memory_space<vmem>>
      %dma_wait3A_132 = arith.constant 0 : i32
      %dma_wait3A_133 = arith.constant 0 : i32
      %dma_wait3A_134 = tpu.memref_slice %arg3[%dma_wait3A_132, %dma_wait3A_133] : memref<507904x128xf32, #tpu.memory_space<hbm>> -> memref<507904x128xf32, #tpu.memory_space<hbm>>
      tpu.wait_indirect_dma semaphore(%arg14 : memref<!tpu.dma_semaphore, #tpu.memory_space<semaphore_mem>>) src(%dma_wait3A_134 : memref<507904x128xf32, #tpu.memory_space<hbm>>) dst(%arg9 : memref<128x128xf32, #tpu.memory_space<vmem>>)
      %mul3A_135 = arith.constant 128 : i32
      %mul3A_136 = arith.muli %add3A_128, %mul3A_135 : i32
      %add3A_137 = arith.addi %mul3A_4, %mul3A_136 : i32
      %dma_start3A_138 = arith.constant 0 : i32
      %dma_start3A_139 = tpu.memref_slice %arg4[%add3A_137, %dma_start3A_138] : memref<409600x128xf32, #tpu.memory_space<hbm>> -> memref<128x128xf32, #tpu.memory_space<hbm>>
      %dma_start3A_140 = arith.constant 0 : i32
      %dma_start3A_141 = tpu.memref_slice %arg4[%add3A_137, %dma_start3A_140] : memref<409600x128xf32, #tpu.memory_space<hbm>> -> memref<128x128xf32, #tpu.memory_space<hbm>>
      tpu.enqueue_dma source(%arg9 : memref<128x128xf32, #tpu.memory_space<vmem>>) target(%dma_start3A_141 : memref<128x128xf32, #tpu.memory_space<hbm>>) target_semaphore(%arg19 : memref<!tpu.dma_semaphore, #tpu.memory_space<semaphore_mem>>)
      %mul3A_142 = arith.constant 5 : i32
      %mul3A_143 = arith.muli %scan3A_73, %mul3A_142 : i32
      %add3A_144 = arith.constant 4 : i32
      %add3A_145 = arith.addi %mul3A_143, %add3A_144 : i32
      %dma_wait3A_146 = arith.constant 0 : i32
      %dma_wait3A_147 = tpu.memref_slice %arg5[%add3A_145, %dma_wait3A_146] : memref<100x128xi32, #tpu.memory_space<vmem>> -> memref<1x128xi32, #tpu.memory_space<vmem>>
      %dma_wait3A_148 = tpu.memref_squeeze %dma_wait3A_147 : memref<1x128xi32, #tpu.memory_space<vmem>> -> memref<128xi32, #tpu.memory_space<vmem>>
      %dma_wait3A_149 = arith.constant 0 : i32
      %dma_wait3A_150 = arith.constant 0 : i32
      %dma_wait3A_151 = tpu.memref_slice %arg3[%dma_wait3A_149, %dma_wait3A_150] : memref<507904x128xf32, #tpu.memory_space<hbm>> -> memref<507904x128xf32, #tpu.memory_space<hbm>>
      tpu.wait_indirect_dma semaphore(%arg15 : memref<!tpu.dma_semaphore, #tpu.memory_space<semaphore_mem>>) src(%dma_wait3A_151 : memref<507904x128xf32, #tpu.memory_space<hbm>>) dst(%arg10 : memref<128x128xf32, #tpu.memory_space<vmem>>)
      %mul3A_152 = arith.constant 128 : i32
      %mul3A_153 = arith.muli %add3A_145, %mul3A_152 : i32
      %add3A_154 = arith.addi %mul3A_4, %mul3A_153 : i32
      %dma_start3A_155 = arith.constant 0 : i32
      %dma_start3A_156 = tpu.memref_slice %arg4[%add3A_154, %dma_start3A_155] : memref<409600x128xf32, #tpu.memory_space<hbm>> -> memref<128x128xf32, #tpu.memory_space<hbm>>
      %dma_start3A_157 = arith.constant 0 : i32
      %dma_start3A_158 = tpu.memref_slice %arg4[%add3A_154, %dma_start3A_157] : memref<409600x128xf32, #tpu.memory_space<hbm>> -> memref<128x128xf32, #tpu.memory_space<hbm>>
      tpu.enqueue_dma source(%arg10 : memref<128x128xf32, #tpu.memory_space<vmem>>) target(%dma_start3A_158 : memref<128x128xf32, #tpu.memory_space<hbm>>) target_semaphore(%arg20 : memref<!tpu.dma_semaphore, #tpu.memory_space<semaphore_mem>>)
      %add3A_159 = arith.constant 1 : i32
      %add3A_160 = arith.addi %scan3A_73, %add3A_159 : i32
      %lt3A = arith.constant 20 : i32
      %lt3A_161 = arith.cmpi slt, %add3A_160, %lt3A : i32
      %convert_element_type3A = arith.extui %lt3A_161 : i1 to i32
      %cond3A = arith.constant 0 : i32
      %cond3A_162 = arith.cmpi ne, %convert_element_type3A, %cond3A : i32
      scf.if %cond3A_162 {
        %add3A_163 = arith.constant 1 : i32
        %add3A_164 = arith.addi %scan3A_73, %add3A_163 : i32
        %mul3A_165 = arith.constant 5 : i32
        %mul3A_166 = arith.muli %add3A_164, %mul3A_165 : i32
        %add3A_167 = arith.constant 0 : i32
        %add3A_168 = arith.addi %mul3A_166, %add3A_167 : i32
        %sub3A = arith.constant 5 : i32
        %sub3A_169 = arith.subi %add3A_168, %sub3A : i32
        %mul3A_170 = arith.constant 128 : i32
        %mul3A_171 = arith.muli %sub3A_169, %mul3A_170 : i32
        %add3A_172 = arith.addi %mul3A_4, %mul3A_171 : i32
        %dma_wait3A_173 = arith.constant 0 : i32
        %dma_wait3A_174 = tpu.memref_slice %arg4[%add3A_172, %dma_wait3A_173] : memref<409600x128xf32, #tpu.memory_space<hbm>> -> memref<128x128xf32, #tpu.memory_space<hbm>>
        %dma_wait3A_175 = arith.constant 0 : i32
        %dma_wait3A_176 = tpu.memref_slice %arg4[%add3A_172, %dma_wait3A_175] : memref<409600x128xf32, #tpu.memory_space<hbm>> -> memref<128x128xf32, #tpu.memory_space<hbm>>
        tpu.wait_dma2 semaphore(%arg16 : memref<!tpu.dma_semaphore, #tpu.memory_space<semaphore_mem>>) src(%arg6 : memref<128x128xf32, #tpu.memory_space<vmem>>) dst(%dma_wait3A_176 : memref<128x128xf32, #tpu.memory_space<hbm>>)
        %dma_start3A_177 = arith.constant 0 : i32
        %dma_start3A_178 = tpu.memref_slice %arg5[%add3A_168, %dma_start3A_177] : memref<100x128xi32, #tpu.memory_space<vmem>> -> memref<1x128xi32, #tpu.memory_space<vmem>>
        %dma_start3A_179 = tpu.memref_squeeze %dma_start3A_178 : memref<1x128xi32, #tpu.memory_space<vmem>> -> memref<128xi32, #tpu.memory_space<vmem>>
        %dma_start3A_180 = arith.constant 0 : i32
        %dma_start3A_181 = arith.constant 0 : i32
        %dma_start3A_182 = tpu.memref_slice %arg3[%dma_start3A_180, %dma_start3A_181] : memref<507904x128xf32, #tpu.memory_space<hbm>> -> memref<507904x128xf32, #tpu.memory_space<hbm>>
        tpu.enqueue_indirect_dma source(%dma_start3A_182 : memref<507904x128xf32, #tpu.memory_space<hbm>>) target(%arg6 : memref<128x128xf32, #tpu.memory_space<vmem>>) offsets(%dma_start3A_179 : memref<128xi32, #tpu.memory_space<vmem>>) semaphore(%arg11 : memref<!tpu.dma_semaphore, #tpu.memory_space<semaphore_mem>>)
        %add3A_183 = arith.constant 1 : i32
        %add3A_184 = arith.addi %scan3A_73, %add3A_183 : i32
        %mul3A_185 = arith.constant 5 : i32
        %mul3A_186 = arith.muli %add3A_184, %mul3A_185 : i32
        %add3A_187 = arith.constant 1 : i32
        %add3A_188 = arith.addi %mul3A_186, %add3A_187 : i32
        %sub3A_189 = arith.constant 5 : i32
        %sub3A_190 = arith.subi %add3A_188, %sub3A_189 : i32
        %mul3A_191 = arith.constant 128 : i32
        %mul3A_192 = arith.muli %sub3A_190, %mul3A_191 : i32
        %add3A_193 = arith.addi %mul3A_4, %mul3A_192 : i32
        %dma_wait3A_194 = arith.constant 0 : i32
        %dma_wait3A_195 = tpu.memref_slice %arg4[%add3A_193, %dma_wait3A_194] : memref<409600x128xf32, #tpu.memory_space<hbm>> -> memref<128x128xf32, #tpu.memory_space<hbm>>
        %dma_wait3A_196 = arith.constant 0 : i32
        %dma_wait3A_197 = tpu.memref_slice %arg4[%add3A_193, %dma_wait3A_196] : memref<409600x128xf32, #tpu.memory_space<hbm>> -> memref<128x128xf32, #tpu.memory_space<hbm>>
        tpu.wait_dma2 semaphore(%arg17 : memref<!tpu.dma_semaphore, #tpu.memory_space<semaphore_mem>>) src(%arg7 : memref<128x128xf32, #tpu.memory_space<vmem>>) dst(%dma_wait3A_197 : memref<128x128xf32, #tpu.memory_space<hbm>>)
        %dma_start3A_198 = arith.constant 0 : i32
        %dma_start3A_199 = tpu.memref_slice %arg5[%add3A_188, %dma_start3A_198] : memref<100x128xi32, #tpu.memory_space<vmem>> -> memref<1x128xi32, #tpu.memory_space<vmem>>
        %dma_start3A_200 = tpu.memref_squeeze %dma_start3A_199 : memref<1x128xi32, #tpu.memory_space<vmem>> -> memref<128xi32, #tpu.memory_space<vmem>>
        %dma_start3A_201 = arith.constant 0 : i32
        %dma_start3A_202 = arith.constant 0 : i32
        %dma_start3A_203 = tpu.memref_slice %arg3[%dma_start3A_201, %dma_start3A_202] : memref<507904x128xf32, #tpu.memory_space<hbm>> -> memref<507904x128xf32, #tpu.memory_space<hbm>>
        tpu.enqueue_indirect_dma source(%dma_start3A_203 : memref<507904x128xf32, #tpu.memory_space<hbm>>) target(%arg7 : memref<128x128xf32, #tpu.memory_space<vmem>>) offsets(%dma_start3A_200 : memref<128xi32, #tpu.memory_space<vmem>>) semaphore(%arg12 : memref<!tpu.dma_semaphore, #tpu.memory_space<semaphore_mem>>)
        %add3A_204 = arith.constant 1 : i32
        %add3A_205 = arith.addi %scan3A_73, %add3A_204 : i32
        %mul3A_206 = arith.constant 5 : i32
        %mul3A_207 = arith.muli %add3A_205, %mul3A_206 : i32
        %add3A_208 = arith.constant 2 : i32
        %add3A_209 = arith.addi %mul3A_207, %add3A_208 : i32
        %sub3A_210 = arith.constant 5 : i32
        %sub3A_211 = arith.subi %add3A_209, %sub3A_210 : i32
        %mul3A_212 = arith.constant 128 : i32
        %mul3A_213 = arith.muli %sub3A_211, %mul3A_212 : i32
        %add3A_214 = arith.addi %mul3A_4, %mul3A_213 : i32
        %dma_wait3A_215 = arith.constant 0 : i32
        %dma_wait3A_216 = tpu.memref_slice %arg4[%add3A_214, %dma_wait3A_215] : memref<409600x128xf32, #tpu.memory_space<hbm>> -> memref<128x128xf32, #tpu.memory_space<hbm>>
        %dma_wait3A_217 = arith.constant 0 : i32
        %dma_wait3A_218 = tpu.memref_slice %arg4[%add3A_214, %dma_wait3A_217] : memref<409600x128xf32, #tpu.memory_space<hbm>> -> memref<128x128xf32, #tpu.memory_space<hbm>>
        tpu.wait_dma2 semaphore(%arg18 : memref<!tpu.dma_semaphore, #tpu.memory_space<semaphore_mem>>) src(%arg8 : memref<128x128xf32, #tpu.memory_space<vmem>>) dst(%dma_wait3A_218 : memref<128x128xf32, #tpu.memory_space<hbm>>)
        %dma_start3A_219 = arith.constant 0 : i32
        %dma_start3A_220 = tpu.memref_slice %arg5[%add3A_209, %dma_start3A_219] : memref<100x128xi32, #tpu.memory_space<vmem>> -> memref<1x128xi32, #tpu.memory_space<vmem>>
        %dma_start3A_221 = tpu.memref_squeeze %dma_start3A_220 : memref<1x128xi32, #tpu.memory_space<vmem>> -> memref<128xi32, #tpu.memory_space<vmem>>
        %dma_start3A_222 = arith.constant 0 : i32
        %dma_start3A_223 = arith.constant 0 : i32
        %dma_start3A_224 = tpu.memref_slice %arg3[%dma_start3A_222, %dma_start3A_223] : memref<507904x128xf32, #tpu.memory_space<hbm>> -> memref<507904x128xf32, #tpu.memory_space<hbm>>
        tpu.enqueue_indirect_dma source(%dma_start3A_224 : memref<507904x128xf32, #tpu.memory_space<hbm>>) target(%arg8 : memref<128x128xf32, #tpu.memory_space<vmem>>) offsets(%dma_start3A_221 : memref<128xi32, #tpu.memory_space<vmem>>) semaphore(%arg13 : memref<!tpu.dma_semaphore, #tpu.memory_space<semaphore_mem>>)
        %add3A_225 = arith.constant 1 : i32
        %add3A_226 = arith.addi %scan3A_73, %add3A_225 : i32
        %mul3A_227 = arith.constant 5 : i32
        %mul3A_228 = arith.muli %add3A_226, %mul3A_227 : i32
        %add3A_229 = arith.constant 3 : i32
        %add3A_230 = arith.addi %mul3A_228, %add3A_229 : i32
        %sub3A_231 = arith.constant 5 : i32
        %sub3A_232 = arith.subi %add3A_230, %sub3A_231 : i32
        %mul3A_233 = arith.constant 128 : i32
        %mul3A_234 = arith.muli %sub3A_232, %mul3A_233 : i32
        %add3A_235 = arith.addi %mul3A_4, %mul3A_234 : i32
        %dma_wait3A_236 = arith.constant 0 : i32
        %dma_wait3A_237 = tpu.memref_slice %arg4[%add3A_235, %dma_wait3A_236] : memref<409600x128xf32, #tpu.memory_space<hbm>> -> memref<128x128xf32, #tpu.memory_space<hbm>>
        %dma_wait3A_238 = arith.constant 0 : i32
        %dma_wait3A_239 = tpu.memref_slice %arg4[%add3A_235, %dma_wait3A_238] : memref<409600x128xf32, #tpu.memory_space<hbm>> -> memref<128x128xf32, #tpu.memory_space<hbm>>
        tpu.wait_dma2 semaphore(%arg19 : memref<!tpu.dma_semaphore, #tpu.memory_space<semaphore_mem>>) src(%arg9 : memref<128x128xf32, #tpu.memory_space<vmem>>) dst(%dma_wait3A_239 : memref<128x128xf32, #tpu.memory_space<hbm>>)
        %dma_start3A_240 = arith.constant 0 : i32
        %dma_start3A_241 = tpu.memref_slice %arg5[%add3A_230, %dma_start3A_240] : memref<100x128xi32, #tpu.memory_space<vmem>> -> memref<1x128xi32, #tpu.memory_space<vmem>>
        %dma_start3A_242 = tpu.memref_squeeze %dma_start3A_241 : memref<1x128xi32, #tpu.memory_space<vmem>> -> memref<128xi32, #tpu.memory_space<vmem>>
        %dma_start3A_243 = arith.constant 0 : i32
        %dma_start3A_244 = arith.constant 0 : i32
        %dma_start3A_245 = tpu.memref_slice %arg3[%dma_start3A_243, %dma_start3A_244] : memref<507904x128xf32, #tpu.memory_space<hbm>> -> memref<507904x128xf32, #tpu.memory_space<hbm>>
        tpu.enqueue_indirect_dma source(%dma_start3A_245 : memref<507904x128xf32, #tpu.memory_space<hbm>>) target(%arg9 : memref<128x128xf32, #tpu.memory_space<vmem>>) offsets(%dma_start3A_242 : memref<128xi32, #tpu.memory_space<vmem>>) semaphore(%arg14 : memref<!tpu.dma_semaphore, #tpu.memory_space<semaphore_mem>>)
        %add3A_246 = arith.constant 1 : i32
        %add3A_247 = arith.addi %scan3A_73, %add3A_246 : i32
        %mul3A_248 = arith.constant 5 : i32
        %mul3A_249 = arith.muli %add3A_247, %mul3A_248 : i32
        %add3A_250 = arith.constant 4 : i32
        %add3A_251 = arith.addi %mul3A_249, %add3A_250 : i32
        %sub3A_252 = arith.constant 5 : i32
        %sub3A_253 = arith.subi %add3A_251, %sub3A_252 : i32
        %mul3A_254 = arith.constant 128 : i32
        %mul3A_255 = arith.muli %sub3A_253, %mul3A_254 : i32
        %add3A_256 = arith.addi %mul3A_4, %mul3A_255 : i32
        %dma_wait3A_257 = arith.constant 0 : i32
        %dma_wait3A_258 = tpu.memref_slice %arg4[%add3A_256, %dma_wait3A_257] : memref<409600x128xf32, #tpu.memory_space<hbm>> -> memref<128x128xf32, #tpu.memory_space<hbm>>
        %dma_wait3A_259 = arith.constant 0 : i32
        %dma_wait3A_260 = tpu.memref_slice %arg4[%add3A_256, %dma_wait3A_259] : memref<409600x128xf32, #tpu.memory_space<hbm>> -> memref<128x128xf32, #tpu.memory_space<hbm>>
        tpu.wait_dma2 semaphore(%arg20 : memref<!tpu.dma_semaphore, #tpu.memory_space<semaphore_mem>>) src(%arg10 : memref<128x128xf32, #tpu.memory_space<vmem>>) dst(%dma_wait3A_260 : memref<128x128xf32, #tpu.memory_space<hbm>>)
        %dma_start3A_261 = arith.constant 0 : i32
        %dma_start3A_262 = tpu.memref_slice %arg5[%add3A_251, %dma_start3A_261] : memref<100x128xi32, #tpu.memory_space<vmem>> -> memref<1x128xi32, #tpu.memory_space<vmem>>
        %dma_start3A_263 = tpu.memref_squeeze %dma_start3A_262 : memref<1x128xi32, #tpu.memory_space<vmem>> -> memref<128xi32, #tpu.memory_space<vmem>>
        %dma_start3A_264 = arith.constant 0 : i32
        %dma_start3A_265 = arith.constant 0 : i32
        %dma_start3A_266 = tpu.memref_slice %arg3[%dma_start3A_264, %dma_start3A_265] : memref<507904x128xf32, #tpu.memory_space<hbm>> -> memref<507904x128xf32, #tpu.memory_space<hbm>>
        tpu.enqueue_indirect_dma source(%dma_start3A_266 : memref<507904x128xf32, #tpu.memory_space<hbm>>) target(%arg10 : memref<128x128xf32, #tpu.memory_space<vmem>>) offsets(%dma_start3A_263 : memref<128xi32, #tpu.memory_space<vmem>>) semaphore(%arg15 : memref<!tpu.dma_semaphore, #tpu.memory_space<semaphore_mem>>)
      } else {
      }
    }
    %scan3A_43 = arith.constant 20 : i32
    %add3A_44 = arith.constant 12160 : i32
    %add3A_45 = arith.addi %mul3A_4, %add3A_44 : i32
    %dma_wait3A = arith.constant 0 : i32
    %dma_wait3A_46 = tpu.memref_slice %arg4[%add3A_45, %dma_wait3A] : memref<409600x128xf32, #tpu.memory_space<hbm>> -> memref<128x128xf32, #tpu.memory_space<hbm>>
    %dma_wait3A_47 = arith.constant 0 : i32
    %dma_wait3A_48 = tpu.memref_slice %arg4[%add3A_45, %dma_wait3A_47] : memref<409600x128xf32, #tpu.memory_space<hbm>> -> memref<128x128xf32, #tpu.memory_space<hbm>>
    tpu.wait_dma2 semaphore(%arg16 : memref<!tpu.dma_semaphore, #tpu.memory_space<semaphore_mem>>) src(%arg6 : memref<128x128xf32, #tpu.memory_space<vmem>>) dst(%dma_wait3A_48 : memref<128x128xf32, #tpu.memory_space<hbm>>)
    %add3A_49 = arith.constant 12288 : i32
    %add3A_50 = arith.addi %mul3A_4, %add3A_49 : i32
    %dma_wait3A_51 = arith.constant 0 : i32
    %dma_wait3A_52 = tpu.memref_slice %arg4[%add3A_50, %dma_wait3A_51] : memref<409600x128xf32, #tpu.memory_space<hbm>> -> memref<128x128xf32, #tpu.memory_space<hbm>>
    %dma_wait3A_53 = arith.constant 0 : i32
    %dma_wait3A_54 = tpu.memref_slice %arg4[%add3A_50, %dma_wait3A_53] : memref<409600x128xf32, #tpu.memory_space<hbm>> -> memref<128x128xf32, #tpu.memory_space<hbm>>
    tpu.wait_dma2 semaphore(%arg17 : memref<!tpu.dma_semaphore, #tpu.memory_space<semaphore_mem>>) src(%arg7 : memref<128x128xf32, #tpu.memory_space<vmem>>) dst(%dma_wait3A_54 : memref<128x128xf32, #tpu.memory_space<hbm>>)
    %add3A_55 = arith.constant 12416 : i32
    %add3A_56 = arith.addi %mul3A_4, %add3A_55 : i32
    %dma_wait3A_57 = arith.constant 0 : i32
    %dma_wait3A_58 = tpu.memref_slice %arg4[%add3A_56, %dma_wait3A_57] : memref<409600x128xf32, #tpu.memory_space<hbm>> -> memref<128x128xf32, #tpu.memory_space<hbm>>
    %dma_wait3A_59 = arith.constant 0 : i32
    %dma_wait3A_60 = tpu.memref_slice %arg4[%add3A_56, %dma_wait3A_59] : memref<409600x128xf32, #tpu.memory_space<hbm>> -> memref<128x128xf32, #tpu.memory_space<hbm>>
    tpu.wait_dma2 semaphore(%arg18 : memref<!tpu.dma_semaphore, #tpu.memory_space<semaphore_mem>>) src(%arg8 : memref<128x128xf32, #tpu.memory_space<vmem>>) dst(%dma_wait3A_60 : memref<128x128xf32, #tpu.memory_space<hbm>>)
    %add3A_61 = arith.constant 12544 : i32
    %add3A_62 = arith.addi %mul3A_4, %add3A_61 : i32
    %dma_wait3A_63 = arith.constant 0 : i32
    %dma_wait3A_64 = tpu.memref_slice %arg4[%add3A_62, %dma_wait3A_63] : memref<409600x128xf32, #tpu.memory_space<hbm>> -> memref<128x128xf32, #tpu.memory_space<hbm>>
    %dma_wait3A_65 = arith.constant 0 : i32
    %dma_wait3A_66 = tpu.memref_slice %arg4[%add3A_62, %dma_wait3A_65] : memref<409600x128xf32, #tpu.memory_space<hbm>> -> memref<128x128xf32, #tpu.memory_space<hbm>>
    tpu.wait_dma2 semaphore(%arg19 : memref<!tpu.dma_semaphore, #tpu.memory_space<semaphore_mem>>) src(%arg9 : memref<128x128xf32, #tpu.memory_space<vmem>>) dst(%dma_wait3A_66 : memref<128x128xf32, #tpu.memory_space<hbm>>)
    %add3A_67 = arith.constant 12672 : i32
    %add3A_68 = arith.addi %mul3A_4, %add3A_67 : i32
    %dma_wait3A_69 = arith.constant 0 : i32
    %dma_wait3A_70 = tpu.memref_slice %arg4[%add3A_68, %dma_wait3A_69] : memref<409600x128xf32, #tpu.memory_space<hbm>> -> memref<128x128xf32, #tpu.memory_space<hbm>>
    %dma_wait3A_71 = arith.constant 0 : i32
    %dma_wait3A_72 = tpu.memref_slice %arg4[%add3A_68, %dma_wait3A_71] : memref<409600x128xf32, #tpu.memory_space<hbm>> -> memref<128x128xf32, #tpu.memory_space<hbm>>
    tpu.wait_dma2 semaphore(%arg20 : memref<!tpu.dma_semaphore, #tpu.memory_space<semaphore_mem>>) src(%arg10 : memref<128x128xf32, #tpu.memory_space<vmem>>) dst(%dma_wait3A_72 : memref<128x128xf32, #tpu.memory_space<hbm>>)
    return
  }
}

module attributes {stable_mosaic.version = 14 : i64} {
  func.func @_tp_body(%arg0: i32, %arg1: memref<64x16384xf32, #tpu.memory_space<vmem>>, %arg2: memref<8192x128xf32, #tpu.memory_space<vmem>>) attributes {dimension_semantics = [#tpu.dimension_semantics<arbitrary>], iteration_bounds = array<i64: 62>, scalar_prefetch = 0 : i64, scratch_operands = 0 : i64, tpu.core_type = #tpu.core_type<tc>, window_params = [{transform_indices = @transform_0, window_bounds = array<i64: 64, 16384>}, {transform_indices = @transform_1, window_bounds = array<i64: 8192, 128>}]} {
    %get3A = arith.constant 0 : index
    %get3A_0 = arith.constant 0 : index
    %get3A_1 = vector.load %arg1[%get3A, %get3A_0] : memref<64x16384xf32, #tpu.memory_space<vmem>>, vector<64x16384xf32>
    %slice3A = vector.extract_strided_slice %get3A_1 {offsets = [0, 0], sizes = [64, 8192], strides = [1, 1]} : vector<64x16384xf32> to vector<64x8192xf32>
    %slice3A_2 = vector.extract_strided_slice %get3A_1 {offsets = [0, 8192], sizes = [64, 8192], strides = [1, 1]} : vector<64x16384xf32> to vector<64x8192xf32>
    %concatenate3A = tpu.concatenate %slice3A, %slice3A_2 in 0 : vector<64x8192xf32>, vector<64x8192xf32> -> vector<128x8192xf32>
    %transpose3A = tpu.transpose %concatenate3A, [1, 0] : vector<128x8192xf32> -> vector<8192x128xf32>
    %swap3A = arith.constant 0 : index
    %swap3A_3 = arith.constant 0 : index
    %swap3A_4 = vector.load %arg2[%swap3A, %swap3A_3] : memref<8192x128xf32, #tpu.memory_space<vmem>>, vector<8192x128xf32>
    tpu.vector_store %arg2[%swap3A, %swap3A_3], %transpose3A {strides = array<i32>} : memref<8192x128xf32, #tpu.memory_space<vmem>>, vector<8192x128xf32>,
    return
  }
  func.func @transform_0(%arg0: i32) -> (i32, i32) {
    %c0_i32 = arith.constant 0 : i32
    %c0_i32_0 = arith.constant 0 : i32
    return %c0_i32, %arg0 : i32, i32
  }
  func.func @transform_1(%arg0: i32) -> (i32, i32) {
    %c0_i32 = arith.constant 0 : i32
    %c0_i32_0 = arith.constant 0 : i32
    return %arg0, %c0_i32 : i32, i32
  }
}

module attributes {stable_mosaic.version = 14 : i64} {
  func.func @_ln_body(%arg0: i32, %arg1: i32, %arg2: memref<16384x128xf32, #tpu.memory_space<vmem>>, %arg3: memref<1x128xf32, #tpu.memory_space<vmem>>, %arg4: memref<1x128xf32, #tpu.memory_space<vmem>>, %arg5: memref<1x128xf32, #tpu.memory_space<vmem>>, %arg6: memref<128x128xf32, #tpu.memory_space<vmem>>, %arg7: memref<1x1x16384xi32, #tpu.memory_space<vmem>>, %arg8: memref<1x64x16384xf32, #tpu.memory_space<vmem>>) attributes {dimension_semantics = [#tpu.dimension_semantics<arbitrary>, #tpu.dimension_semantics<arbitrary>], iteration_bounds = array<i64: 25, 1>, scalar_prefetch = 0 : i64, scratch_operands = 0 : i64, tpu.core_type = #tpu.core_type<tc>, window_params = [{transform_indices = @transform_0, window_bounds = array<i64: 16384, 128>}, {pipeline_mode = #tpu.pipeline_mode<synchronous>, transform_indices = @transform_1, window_bounds = array<i64: 1, 128>}, {pipeline_mode = #tpu.pipeline_mode<synchronous>, transform_indices = @transform_2, window_bounds = array<i64: 1, 128>}, {pipeline_mode = #tpu.pipeline_mode<synchronous>, transform_indices = @transform_3, window_bounds = array<i64: 1, 128>}, {pipeline_mode = #tpu.pipeline_mode<synchronous>, transform_indices = @transform_4, window_bounds = array<i64: 128, 128>}, {transform_indices = @transform_5, window_bounds = array<i64: 1, 1, 16384>}, {transform_indices = @transform_6, window_bounds = array<i64: 1, 64, 16384>}]} {
    %get3A = arith.constant 0 : index
    %get3A_0 = arith.constant 0 : index
    %get3A_1 = vector.load %arg2[%get3A, %get3A_0] : memref<16384x128xf32, #tpu.memory_space<vmem>>, vector<16384x128xf32>
    %get3A_2 = arith.constant 0 : index
    %get3A_3 = arith.constant 0 : index
    %get3A_4 = vector.load %arg3[%get3A_2, %get3A_3] : memref<1x128xf32, #tpu.memory_space<vmem>>, vector<1x128xf32>
    %add3A = vector.broadcast %get3A_4 : vector<1x128xf32> to vector<16384x128xf32>
    %add3A_5 = arith.addf %get3A_1, %add3A : vector<16384x128xf32>
    %get3A_6 = arith.constant 0 : index
    %get3A_7 = arith.constant 0 : index
    %get3A_8 = vector.load %arg6[%get3A_6, %get3A_7] : memref<128x128xf32, #tpu.memory_space<vmem>>, vector<128x128xf32>
    %dot_general3A = arith.constant dense<0.000000e+00> : vector<16384x128xf32>
    %dot_general3A_9 = tpu.matmul %add3A_5, %get3A_8, %dot_general3A {dimension_numbers = #tpu.dot_dimension_numbers<[1], [0], [0], [1], [0, 0, 1, 1], [], []>, transpose_lhs_hint = false} : vector<16384x128xf32>, vector<128x128xf32>, vector<16384x128xf32> -> vector<16384x128xf32>
    %mul3A = arith.mulf %add3A_5, %add3A_5 : vector<16384x128xf32>
    %dot_general3A_10 = arith.constant dense<0.000000e+00> : vector<16384x128xf32>
    %dot_general3A_11 = tpu.matmul %mul3A, %get3A_8, %dot_general3A_10 {dimension_numbers = #tpu.dot_dimension_numbers<[1], [0], [0], [1], [0, 0, 1, 1], [], []>, transpose_lhs_hint = false} : vector<16384x128xf32>, vector<128x128xf32>, vector<16384x128xf32> -> vector<16384x128xf32>
    %mul3A_12 = arith.mulf %dot_general3A_9, %dot_general3A_9 : vector<16384x128xf32>
    %sub3A = arith.subf %dot_general3A_11, %mul3A_12 : vector<16384x128xf32>
    %sub3A_13 = arith.subf %add3A_5, %dot_general3A_9 : vector<16384x128xf32>
    %add3A_14 = arith.constant 9.99999996E-13 : f32
    %add3A_15 = vector.broadcast %add3A_14 : f32 to vector<16384x128xf32>
    %add3A_16 = arith.addf %sub3A, %add3A_15 : vector<16384x128xf32>
    %rsqrt3A = math.rsqrt %add3A_16 : vector<16384x128xf32>
    %mul3A_17 = arith.mulf %sub3A_13, %rsqrt3A : vector<16384x128xf32>
    %get3A_18 = arith.constant 0 : index
    %get3A_19 = arith.constant 0 : index
    %get3A_20 = vector.load %arg4[%get3A_18, %get3A_19] : memref<1x128xf32, #tpu.memory_space<vmem>>, vector<1x128xf32>
    %mul3A_21 = vector.broadcast %get3A_20 : vector<1x128xf32> to vector<16384x128xf32>
    %mul3A_22 = arith.mulf %mul3A_17, %mul3A_21 : vector<16384x128xf32>
    %get3A_23 = arith.constant 0 : index
    %get3A_24 = arith.constant 0 : index
    %get3A_25 = vector.load %arg5[%get3A_23, %get3A_24] : memref<1x128xf32, #tpu.memory_space<vmem>>, vector<1x128xf32>
    %add3A_26 = vector.broadcast %get3A_25 : vector<1x128xf32> to vector<16384x128xf32>
    %add3A_27 = arith.addf %mul3A_22, %add3A_26 : vector<16384x128xf32>
    %transpose3A = tpu.transpose %add3A_27, [1, 0] : vector<16384x128xf32> -> vector<128x16384xf32>
    %get3A_28 = arith.constant 0 : index
    %get3A_29 = arith.constant 0 : index
    %get3A_30 = arith.constant 0 : index
    %get3A_31 = vector.load %arg7[%get3A_28, %get3A_29, %get3A_30] : memref<1x1x16384xi32, #tpu.memory_space<vmem>>, vector<1x1x16384xi32>
    %get3A_32 = vector.shape_cast %get3A_31 : vector<1x1x16384xi32> to vector<1x16384xi32>
    %eq3A = arith.constant 1 : i32
    %eq3A_33 = vector.broadcast %eq3A : i32 to vector<1x16384xi32>
    %eq3A_34 = arith.cmpi eq, %get3A_32, %eq3A_33 : vector<1x16384xi32>
    %slice3A = vector.extract_strided_slice %transpose3A {offsets = [64, 0], sizes = [64, 16384], strides = [1, 1]} : vector<128x16384xf32> to vector<64x16384xf32>
    %slice3A_35 = vector.extract_strided_slice %transpose3A {offsets = [0, 0], sizes = [64, 16384], strides = [1, 1]} : vector<128x16384xf32> to vector<64x16384xf32>
    %broadcast_in_dim3A = vector.shape_cast %eq3A_34 : vector<1x16384xi1> to vector<1x16384xi1>
    %broadcast_in_dim3A_36 = vector.broadcast %broadcast_in_dim3A : vector<1x16384xi1> to vector<64x16384xi1>
    %select_n3A = arith.select %broadcast_in_dim3A_36, %slice3A, %slice3A_35 : vector<64x16384xi1>, vector<64x16384xf32>
    %reshape3A = vector.shape_cast %select_n3A : vector<64x16384xf32> to vector<1x64x16384xf32>
    %swap3A = arith.constant 0 : index
    %swap3A_37 = arith.constant 0 : index
    %swap3A_38 = arith.constant 0 : index
    %swap3A_39 = vector.load %arg8[%swap3A, %swap3A_37, %swap3A_38] : memref<1x64x16384xf32, #tpu.memory_space<vmem>>, vector<1x64x16384xf32>
    tpu.vector_store %arg8[%swap3A, %swap3A_37, %swap3A_38], %reshape3A {strides = array<i32>} : memref<1x64x16384xf32, #tpu.memory_space<vmem>>, vector<1x64x16384xf32>,
    return
  }
  func.func @transform_0(%arg0: i32, %arg1: i32) -> (i32, i32) {
    %mul3A = arith.constant 1 : i32
    %mul3A_0 = arith.muli %arg0, %mul3A : i32
    %add3A = arith.addi %mul3A_0, %arg1 : i32
    %c0_i32 = arith.constant 0 : i32
    %c0_i32_1 = arith.constant 0 : i32
    return %add3A, %c0_i32 : i32, i32
  }
  func.func @transform_1(%arg0: i32, %arg1: i32) -> (i32, i32) {
    %c0_i32 = arith.constant 0 : i32
    %c0_i32_0 = arith.constant 0 : i32
    %c0_i32_1 = arith.constant 0 : i32
    return %c0_i32, %c0_i32_0 : i32, i32
  }
  func.func @transform_2(%arg0: i32, %arg1: i32) -> (i32, i32) {
    %c0_i32 = arith.constant 0 : i32
    %c0_i32_0 = arith.constant 0 : i32
    %c0_i32_1 = arith.constant 0 : i32
    return %c0_i32, %c0_i32_0 : i32, i32
  }
  func.func @transform_3(%arg0: i32, %arg1: i32) -> (i32, i32) {
    %c0_i32 = arith.constant 0 : i32
    %c0_i32_0 = arith.constant 0 : i32
    %c0_i32_1 = arith.constant 0 : i32
    return %c0_i32, %c0_i32_0 : i32, i32
  }
  func.func @transform_4(%arg0: i32, %arg1: i32) -> (i32, i32) {
    %c0_i32 = arith.constant 0 : i32
    %c0_i32_0 = arith.constant 0 : i32
    %c0_i32_1 = arith.constant 0 : i32
    return %c0_i32, %c0_i32_0 : i32, i32
  }
  func.func @transform_5(%arg0: i32, %arg1: i32) -> (i32, i32, i32) {
    %c0_i32 = arith.constant 0 : i32
    %c0_i32_0 = arith.constant 0 : i32
    return %arg0, %c0_i32, %arg1 : i32, i32, i32
  }
  func.func @transform_6(%arg0: i32, %arg1: i32) -> (i32, i32, i32) {
    %add3A = arith.constant 0 : i32
    %add3A_0 = arith.addi %arg0, %add3A : i32
    %c0_i32 = arith.constant 0 : i32
    %c0_i32_1 = arith.constant 0 : i32
    return %add3A_0, %c0_i32, %arg1 : i32, i32, i32
  }
}

module attributes {stable_mosaic.version = 14 : i64} {
  func.func @_ln_body_alias(%arg0: i32, %arg1: i32, %arg2: memref<50x64x16384xf32, #tpu.memory_space<any>>, %arg3: memref<16384x128xf32, #tpu.memory_space<vmem>>, %arg4: memref<1x128xf32, #tpu.memory_space<vmem>>, %arg5: memref<1x128xf32, #tpu.memory_space<vmem>>, %arg6: memref<1x128xf32, #tpu.memory_space<vmem>>, %arg7: memref<128x128xf32, #tpu.memory_space<vmem>>, %arg8: memref<1x1x16384xi32, #tpu.memory_space<vmem>>, %arg9: memref<1x64x16384xf32, #tpu.memory_space<vmem>>) attributes {dimension_semantics = [#tpu.dimension_semantics<arbitrary>, #tpu.dimension_semantics<arbitrary>], iteration_bounds = array<i64: 25, 1>, scalar_prefetch = 0 : i64, scratch_operands = 0 : i64, tpu.core_type = #tpu.core_type<tc>, window_params = [{}, {transform_indices = @transform_1, window_bounds = array<i64: 16384, 128>}, {pipeline_mode = #tpu.pipeline_mode<synchronous>, transform_indices = @transform_2, window_bounds = array<i64: 1, 128>}, {pipeline_mode = #tpu.pipeline_mode<synchronous>, transform_indices = @transform_3, window_bounds = array<i64: 1, 128>}, {pipeline_mode = #tpu.pipeline_mode<synchronous>, transform_indices = @transform_4, window_bounds = array<i64: 1, 128>}, {pipeline_mode = #tpu.pipeline_mode<synchronous>, transform_indices = @transform_5, window_bounds = array<i64: 128, 128>}, {transform_indices = @transform_6, window_bounds = array<i64: 1, 1, 16384>}, {transform_indices = @transform_7, window_bounds = array<i64: 1, 64, 16384>}]} {
    %get3A = arith.constant 0 : index
    %get3A_0 = arith.constant 0 : index
    %get3A_1 = vector.load %arg3[%get3A, %get3A_0] : memref<16384x128xf32, #tpu.memory_space<vmem>>, vector<16384x128xf32>
    %get3A_2 = arith.constant 0 : index
    %get3A_3 = arith.constant 0 : index
    %get3A_4 = vector.load %arg4[%get3A_2, %get3A_3] : memref<1x128xf32, #tpu.memory_space<vmem>>, vector<1x128xf32>
    %add3A = vector.broadcast %get3A_4 : vector<1x128xf32> to vector<16384x128xf32>
    %add3A_5 = arith.addf %get3A_1, %add3A : vector<16384x128xf32>
    %get3A_6 = arith.constant 0 : index
    %get3A_7 = arith.constant 0 : index
    %get3A_8 = vector.load %arg7[%get3A_6, %get3A_7] : memref<128x128xf32, #tpu.memory_space<vmem>>, vector<128x128xf32>
    %dot_general3A = arith.constant dense<0.000000e+00> : vector<16384x128xf32>
    %dot_general3A_9 = tpu.matmul %add3A_5, %get3A_8, %dot_general3A {dimension_numbers = #tpu.dot_dimension_numbers<[1], [0], [0], [1], [0, 0, 1, 1], [], []>, transpose_lhs_hint = false} : vector<16384x128xf32>, vector<128x128xf32>, vector<16384x128xf32> -> vector<16384x128xf32>
    %mul3A = arith.mulf %add3A_5, %add3A_5 : vector<16384x128xf32>
    %dot_general3A_10 = arith.constant dense<0.000000e+00> : vector<16384x128xf32>
    %dot_general3A_11 = tpu.matmul %mul3A, %get3A_8, %dot_general3A_10 {dimension_numbers = #tpu.dot_dimension_numbers<[1], [0], [0], [1], [0, 0, 1, 1], [], []>, transpose_lhs_hint = false} : vector<16384x128xf32>, vector<128x128xf32>, vector<16384x128xf32> -> vector<16384x128xf32>
    %mul3A_12 = arith.mulf %dot_general3A_9, %dot_general3A_9 : vector<16384x128xf32>
    %sub3A = arith.subf %dot_general3A_11, %mul3A_12 : vector<16384x128xf32>
    %sub3A_13 = arith.subf %add3A_5, %dot_general3A_9 : vector<16384x128xf32>
    %add3A_14 = arith.constant 9.99999996E-13 : f32
    %add3A_15 = vector.broadcast %add3A_14 : f32 to vector<16384x128xf32>
    %add3A_16 = arith.addf %sub3A, %add3A_15 : vector<16384x128xf32>
    %rsqrt3A = math.rsqrt %add3A_16 : vector<16384x128xf32>
    %mul3A_17 = arith.mulf %sub3A_13, %rsqrt3A : vector<16384x128xf32>
    %get3A_18 = arith.constant 0 : index
    %get3A_19 = arith.constant 0 : index
    %get3A_20 = vector.load %arg5[%get3A_18, %get3A_19] : memref<1x128xf32, #tpu.memory_space<vmem>>, vector<1x128xf32>
    %mul3A_21 = vector.broadcast %get3A_20 : vector<1x128xf32> to vector<16384x128xf32>
    %mul3A_22 = arith.mulf %mul3A_17, %mul3A_21 : vector<16384x128xf32>
    %get3A_23 = arith.constant 0 : index
    %get3A_24 = arith.constant 0 : index
    %get3A_25 = vector.load %arg6[%get3A_23, %get3A_24] : memref<1x128xf32, #tpu.memory_space<vmem>>, vector<1x128xf32>
    %add3A_26 = vector.broadcast %get3A_25 : vector<1x128xf32> to vector<16384x128xf32>
    %add3A_27 = arith.addf %mul3A_22, %add3A_26 : vector<16384x128xf32>
    %transpose3A = tpu.transpose %add3A_27, [1, 0] : vector<16384x128xf32> -> vector<128x16384xf32>
    %get3A_28 = arith.constant 0 : index
    %get3A_29 = arith.constant 0 : index
    %get3A_30 = arith.constant 0 : index
    %get3A_31 = vector.load %arg8[%get3A_28, %get3A_29, %get3A_30] : memref<1x1x16384xi32, #tpu.memory_space<vmem>>, vector<1x1x16384xi32>
    %get3A_32 = vector.shape_cast %get3A_31 : vector<1x1x16384xi32> to vector<1x16384xi32>
    %eq3A = arith.constant 1 : i32
    %eq3A_33 = vector.broadcast %eq3A : i32 to vector<1x16384xi32>
    %eq3A_34 = arith.cmpi eq, %get3A_32, %eq3A_33 : vector<1x16384xi32>
    %slice3A = vector.extract_strided_slice %transpose3A {offsets = [64, 0], sizes = [64, 16384], strides = [1, 1]} : vector<128x16384xf32> to vector<64x16384xf32>
    %slice3A_35 = vector.extract_strided_slice %transpose3A {offsets = [0, 0], sizes = [64, 16384], strides = [1, 1]} : vector<128x16384xf32> to vector<64x16384xf32>
    %broadcast_in_dim3A = vector.shape_cast %eq3A_34 : vector<1x16384xi1> to vector<1x16384xi1>
    %broadcast_in_dim3A_36 = vector.broadcast %broadcast_in_dim3A : vector<1x16384xi1> to vector<64x16384xi1>
    %select_n3A = arith.select %broadcast_in_dim3A_36, %slice3A, %slice3A_35 : vector<64x16384xi1>, vector<64x16384xf32>
    %reshape3A = vector.shape_cast %select_n3A : vector<64x16384xf32> to vector<1x64x16384xf32>
    %swap3A = arith.constant 0 : index
    %swap3A_37 = arith.constant 0 : index
    %swap3A_38 = arith.constant 0 : index
    %swap3A_39 = vector.load %arg9[%swap3A, %swap3A_37, %swap3A_38] : memref<1x64x16384xf32, #tpu.memory_space<vmem>>, vector<1x64x16384xf32>
    tpu.vector_store %arg9[%swap3A, %swap3A_37, %swap3A_38], %reshape3A {strides = array<i32>} : memref<1x64x16384xf32, #tpu.memory_space<vmem>>, vector<1x64x16384xf32>,
    return
  }
  func.func @transform_1(%arg0: i32, %arg1: i32) -> (i32, i32) {
    %mul3A = arith.constant 1 : i32
    %mul3A_0 = arith.muli %arg0, %mul3A : i32
    %add3A = arith.addi %mul3A_0, %arg1 : i32
    %c0_i32 = arith.constant 0 : i32
    %c0_i32_1 = arith.constant 0 : i32
    return %add3A, %c0_i32 : i32, i32
  }
  func.func @transform_2(%arg0: i32, %arg1: i32) -> (i32, i32) {
    %c0_i32 = arith.constant 0 : i32
    %c0_i32_0 = arith.constant 0 : i32
    %c0_i32_1 = arith.constant 0 : i32
    return %c0_i32, %c0_i32_0 : i32, i32
  }
  func.func @transform_3(%arg0: i32, %arg1: i32) -> (i32, i32) {
    %c0_i32 = arith.constant 0 : i32
    %c0_i32_0 = arith.constant 0 : i32
    %c0_i32_1 = arith.constant 0 : i32
    return %c0_i32, %c0_i32_0 : i32, i32
  }
  func.func @transform_4(%arg0: i32, %arg1: i32) -> (i32, i32) {
    %c0_i32 = arith.constant 0 : i32
    %c0_i32_0 = arith.constant 0 : i32
    %c0_i32_1 = arith.constant 0 : i32
    return %c0_i32, %c0_i32_0 : i32, i32
  }
  func.func @transform_5(%arg0: i32, %arg1: i32) -> (i32, i32) {
    %c0_i32 = arith.constant 0 : i32
    %c0_i32_0 = arith.constant 0 : i32
    %c0_i32_1 = arith.constant 0 : i32
    return %c0_i32, %c0_i32_0 : i32, i32
  }
  func.func @transform_6(%arg0: i32, %arg1: i32) -> (i32, i32, i32) {
    %c0_i32 = arith.constant 0 : i32
    %c0_i32_0 = arith.constant 0 : i32
    return %arg0, %c0_i32, %arg1 : i32, i32, i32
  }
  func.func @transform_7(%arg0: i32, %arg1: i32) -> (i32, i32, i32) {
    %add3A = arith.constant 25 : i32
    %add3A_0 = arith.addi %arg0, %add3A : i32
    %c0_i32 = arith.constant 0 : i32
    %c0_i32_1 = arith.constant 0 : i32
    return %add3A_0, %c0_i32, %arg1 : i32, i32, i32
  }
}

</mosaic_0001>

<sc_bundles>
// kernel: kernel.10.cloned.1.call-start
scs
__scs_entry_jumppad:
0x0: {  	(pc) =	sbr.rel $0x88, $3  }
0x1: {  	(tag) =	ssettag $0x0;
	lr =	simm.s32 $0x1  }
0x2: {  	[smem:$0x3F9C] =	sst lr;
	_ =	strace $0xD0000000  }
0x3: {  	_ = 	snop  }
0x4: {  	_ = 	snop  }
0x5: {  	_ = 	snop  }
0x6: {  	_ = 	snop  }
0x7: {  	_ = 	snop  }
__scs_overlays_trampoline_lowered:
0x8: {  	[smem:$0x3FAB] =	sst s0  }
0x9: {  	[smem:$0x3FAC] =	sst s1  }
0xa: {  	[smem:$0x3FAD] =	sst s2  }
0xb: {  	[smem:$0x3FAE] =	sst s3  }
0xc: {  	[smem:$0x3FAF] =	sst s4  }
0xd: {  	[smem:$0x3FB0] =	sst s5  }
0xe: {  	[smem:$0x3FB1] =	sst s6  }
0xf: {  	[smem:$0x3FB2] =	sst s7  }
0x10: {  	[smem:$0x3FB3] =	sst s8  }
0x11: {  	[smem:$0x3FB4] =	sst s9;
	s0 =	simm.s32 @!p0 $0x0  }
0x12: {  	s1 =	sld [smem:$0x3F9A];
	s0 =	simm.s32 @p0 $0x1  }
0x13: {  	[smem:$0x3FB5] =	sst s0;
	s0 =	simm.s32 @!p1 $0x0  }
0x14: {  	s2 =	sld [smem:$0x3F99];
	s0 =	simm.s32 @p1 $0x1  }
0x15: {  	[smem:$0x3FB6] =	sst s0;
	s0 =	simm.s32 @!p2 $0x0  }
0x16: {  	s3 =	sld [smem:$0x3FDB];
	s0 =	simm.s32 @p2 $0x1  }
0x17: {  	s4 =	simm.s32 $0x1BF5;
	[smem:$0x3FB8] =	sst s0  }
0x18: {  	s0 =	sld [smem:$0x3F9B];
	_ =	swait.ge [sflag:s4], $0x0  }
0x19: {  	s7 =	sld [smem:$0x3F9C]  }
0x1a: {  	s8 =	sadd.s32 $0xFFFFE003, lr  }
0x1b: {  	s9 =	sadd.s32 $0xFFFFFEF7, lr;
	s5 =	simm.s32 $0xFFFFFFFF;
	p2 =	slt.u32 s8, $0xFFFFF086  }
0x1c: {  	p1 =	slt.u32 s9, $0xF7A;
	s5 =	simm.s32 @!p2 $0x0  }
0x1d: {  	s5 =	simm.s32 @p1 $0x1;
	p0 =	seq.s32 s7, s2  }
0x1e: {  	s7 =	smul.u32 @!p0 $0xF7A, s2;
	p2 =	seq.s32 @!p0 s5, $0x0  }
0x1f: {  	s9 =	smul.u32 $0xF7A, s1;
	s8 =	simm.s32 @!p0 $0x1BF5;
	p2 =	por !p2, p0  }
0x20: {  	[sflag:s8] =	ssyncset.s32 @!p0 $0xFFFFF086;
	s6 =	sadd.s32 @!p0 s3, s7;
	s7 =	simm.s32 @!p0 $0x108  }
0x21: {  	s3 =	sadd.s32 s3, s9;
	s6 =	sadd.s32 @!p0 $0x88, s6;
	s7 =	simm.s32 @p2 $0x1082  }
0x22: {  	[simem:s7], [sflag:s8] =	dma.local @!p0 [hbm:s6], $0xF7A  }
0x23: {  	s9 =	sor.u32 $0xD0000000, s2;
	s6 =	simm.s32 $0x108;
	_ =	swait.ge @!p0 [sflag:s8], $0x0  }
0x24: {  	s3 =	sadd.s32 $0x88, s3;
	s6 =	simm.s32 @!p1 $0x1082;
	[sflag:s4] =	ssyncset.s32 $0xFFFFF086  }
0x25: {  	[simem:s6], [sflag:s4] =	dma.local [hbm:s3], $0xF7A  }
0x26: {  	[smem:$0x3F9C] =	sst s1;
	(tag) =	ssettag s2;
	_ =	strace s9  }
0x27: {  	s1 =	sld [smem:$0x3FAC]  }
0x28: {  	s2 =	sld [smem:$0x3FAD]  }
0x29: {  	s4 =	sld [smem:$0x3FAF]  }
0x2a: {  	p0 =	seq.s32 s5, $0x0;
	s5 =	sld [smem:$0x3FB0]  }
0x2b: {  	s6 =	sld [smem:$0x3FB1]  }
0x2c: {  	s7 =	sld [smem:$0x3FB2]  }
0x2d: {  	s3 =	simm.s32 $0x108;
	s8 =	sld [smem:$0x3FB3]  }
0x2e: {  	s3 =	simm.s32 @!p0 $0x1082;
	s9 =	sld [smem:$0x3FB4]  }
0x2f: {  	lr =	sadd.s32 s0, s3;
	s0 =	sld [smem:$0x3FAB]  }
0x30: {  	s3 =	sld [smem:$0x3FAE]  }
0x31: {  	[smem:$0x3FB7] =	sst s10  }
0x32: {  	s10 =	sld [smem:$0x3FB5];
	_ =	sdelay $0x3  }
0x33: {  	p0 =	seq.s32 s10, $0x1;
	s10 =	sld [smem:$0x3FB7];
	_ =	sdelay $0x3  }
0x34: {  	[smem:$0x3FB7] =	sst s10  }
0x35: {  	s10 =	sld [smem:$0x3FB6];
	_ =	sdelay $0x3  }
0x36: {  	p1 =	seq.s32 s10, $0x1;
	s10 =	sld [smem:$0x3FB7];
	_ =	sdelay $0x3  }
0x37: {  	[smem:$0x3FB7] =	sst s10  }
0x38: {  	s10 =	sld [smem:$0x3FB8]  }
0x39: {  	_ = 	snop;
	(pc) =	sbr.ind lr, $3  }
0x3a: {  	_ = 	snop  }
0x3b: {  	_ = 	snop  }
0x3c: {  	p2 =	seq.s32 s10, $0x1;
	s10 =	sld [smem:$0x3FB7]  }
0x3d: {  	_ =	shalt  }
0x3e: {  	_ =	shalt  }
0x3f: {  	_ =	shalt  }
0x40: {  	_ =	shalt  }
0x41: {  	_ =	shalt  }
0x42: {  	_ =	shalt  }
0x43: {  	_ =	shalt  }
0x44: {  	_ =	shalt  }
0x45: {  	_ =	shalt  }
0x46: {  	_ =	shalt  }
0x47: {  	_ =	shalt  }
0x48: {  	_ =	shalt  }
0x49: {  	_ =	shalt  }
0x4a: {  	_ =	shalt  }
0x4b: {  	_ =	shalt  }
0x4c: {  	_ =	shalt  }
0x4d: {  	_ =	shalt  }
0x4e: {  	_ =	shalt  }
0x4f: {  	_ =	shalt  }
0x50: {  	_ =	shalt  }
0x51: {  	_ =	shalt  }
0x52: {  	_ =	shalt  }
0x53: {  	_ =	shalt  }
0x54: {  	_ =	shalt  }
0x55: {  	_ =	shalt  }
0x56: {  	_ =	shalt  }
0x57: {  	_ =	shalt  }
0x58: {  	_ =	shalt  }
0x59: {  	_ =	shalt  }
0x5a: {  	_ =	shalt  }
0x5b: {  	_ =	shalt  }
0x5c: {  	_ =	shalt  }
0x5d: {  	_ =	shalt  }
0x5e: {  	_ =	shalt  }
0x5f: {  	_ =	shalt  }
0x60: {  	_ =	shalt  }
0x61: {  	_ =	shalt  }
0x62: {  	_ =	shalt  }
0x63: {  	_ =	shalt  }
0x64: {  	_ =	shalt  }
0x65: {  	_ =	shalt  }
0x66: {  	_ =	shalt  }
0x67: {  	_ =	shalt  }
0x68: {  	_ =	shalt  }
0x69: {  	_ =	shalt  }
0x6a: {  	_ =	shalt  }
0x6b: {  	_ =	shalt  }
0x6c: {  	_ =	shalt  }
0x6d: {  	_ =	shalt  }
0x6e: {  	_ =	shalt  }
0x6f: {  	_ =	shalt  }
0x70: {  	_ =	shalt  }
0x71: {  	_ =	shalt  }
0x72: {  	_ =	shalt  }
0x73: {  	_ =	shalt  }
0x74: {  	_ =	shalt  }
0x75: {  	_ =	shalt  }
0x76: {  	_ =	shalt  }
0x77: {  	_ =	shalt  }
0x78: {  	_ =	shalt  }
0x79: {  	_ =	shalt  }
0x7a: {  	_ =	shalt  }
0x7b: {  	_ =	shalt  }
0x7c: {  	_ =	shalt  }
0x7d: {  	_ =	shalt  }
0x7e: {  	_ =	shalt  }
0x7f: {  	_ =	shalt  }
0x80: {  	_ =	shalt  }
0x81: {  	_ =	shalt  }
0x82: {  	_ =	shalt  }
0x83: {  	_ =	shalt  }
0x84: {  	_ =	shalt  }
0x85: {  	_ =	shalt  }
0x86: {  	_ =	shalt  }
0x87: {  	_ =	shalt  }
.Lfunc_end0:
.L_simem_size_0:
called_computation.1_lowered:
.L_overlay_start_0:
0x88: {  	s2 =	sld [smem:$0x3FD9]  }
0x89: {  	s3 =	sld [smem:$0x3FFE];
	_ =	sdelay $0x1  }
0x8a: {  	s1 =	srdreg.scid  }
0x8b: {  	s0 =	sand.u32 $0x1, s1  }
0x8c: {  	s17 =	sshll.u32 s0, $0xA;
	s2 =	sadd.s32 s3, s2  }
0x8d: {  	s2 =	sadd.s32 s2, s17  }
0x8e: {  	[smem:$0x3FC3] =	sst s2  }
0x8f: {  	_ = 	snop  }
0x90: {  	(tm) =	ssettm $0x1  }
0x91: {  	s18 =	sld [smem:$0x3FFB];
	_ =	sdelay $0x3  }
0x92: {  	_ =	strace s18  }
0x93: {  	s2 =	sld [smem:$0x3FFC];
	_ =	sdelay $0x3  }
0x94: {  	_ =	strace s2  }
0x95: {  	s2 =	sld [smem:$0x3FFD];
	_ =	sdelay $0x3  }
0x96: {  	_ =	strace s2  }
0x97: {  	_ =	strace $0x8FFFFFFF  }
0x98: {  	s19 =	sld [smem:$0x3FDB];
	_ =	sdelay $0x1  }
0x99: {  	s20 =	simm.s32 $_scs_section_size  }
0x9a: {  	s4 =	simm.s32 $_size__tile_overlayer_lowered;
	s5 =	simm.s32 $_tile_overlayer_lowered  }
0x9b: {  	s6 =	simm.s32 $0x1BFF;
	s21 =	sshll.u32 s5, $0x1;
	s3 =	sadd.s32 s20, s19  }
0x9c: {  	s22 =	simm.s32 $0x0;
	s4 =	sshll.u32 s4, $0x1;
	s5 =	sadd.s32 s21, s3  }
0x9d: {  	[timem:s22], [sflag:s6] =	dma.local [hbm:s5], s4  }
0x9e: {  	_ =	swait.ge [sflag:s6], s4  }
0x9f: {  	s4 =	ssub.s32 $0x0, s4;
	[sflag:s6] =	ssyncset.done $0x0  }
0xa0: {  	[sflag:s6] =	ssyncadd.s32 s4;
	_ =	sdelay $0x1  }
0xa1: {  	s23 =	simm.s32 $0x1B8B  }
0xa2: {  	_ =	swait.ge [sflag:s23], $0x1  }
0xa3: {  	[sflag:s23] =	ssyncset.done $0x0  }
0xa4: {  	[sflag:s23] =	ssyncadd.s32 $0xFFFFFFFF  }
0xa5: {  	s4 =	sld [smem:$0x0]  }
0xa6: {  	s5 =	sand.u32 $0xFFFFFFFE, s1  }
0xa7: {  	p0 =	sne.s32 s1, s5  }
0xa8: {  	s5 =	sshll.u32 @p0 s5, $0xE  }
0xa9: {  	s5 =	sadd.s32 @p0 $0x11B8D, s5;
	s6 =	sshll.u32 @p0 s4, $0x11  }
0xaa: {  	s5 =	sor.u32 @p0 s6, s5  }
0xab: {  	[sflag:s5] =	ssyncadd.remote.s32 @p0 $0x1;
	_ =	sdelay $0x1  }
0xac: {  	s5 =	simm.s32 @p0 $0x1B8D  }
0xad: {  	_ =	swait.eq @p0 [sflag:s5], $0x1  }
0xae: {  	[sflag:s5] =	ssyncadd.s32 @p0 $0xFFFFFFFF  }
0xaf: {  	s6 =	sshll.u32 @!p0 s1, $0xE  }
0xb0: {  	s6 =	sor.u32 @!p0 $0x4000, s6;
	s5 =	simm.s32 @!p0 $0x1B8D  }
0xb1: {  	s4 =	sshll.u32 @!p0 s4, $0x11;
	s6 =	sadd.s32 @!p0 $0x11B8D, s6;
	_ =	swait.eq @!p0 [sflag:s5], $0x1  }
0xb2: {  	s4 =	sor.u32 @!p0 s4, s6;
	[sflag:s5] =	ssyncadd.s32 @!p0 $0xFFFFFFFF  }
0xb3: {  	s25 =	simm.s32 $0x1B8E;
	s24 =	sld [smem:$0x3FFE];
	[sflag:s4] =	ssyncadd.remote.s32 @!p0 $0x1  }
0xb4: {  	s26 =	simm.s32 $execute0_lowered;
	[smem:$0x3FD2] =	sst s25  }
0xb5: {  	s5 =	sshll.u32 s26, $0x1;
	_ =	strace $0x80000049;
	[dreg:$0x1] =	wrdreg $0xFFFFFFFF  }
0xb6: {  	s28 =	simm.s32 $_size_execute0_lowered;
	s3 =	sadd.s32 s3, s5;
	[dreg:$0x0] =	wrdreg $0x0  }
0xb7: {  	s5 =	sshll.u32 s28, $0x1;
	[dreg:$0x2] =	wrdreg s3  }
0xb8: {  	[dreg:$0x3] =	wrdreg s5  }
0xb9: {  	[dreg:$0x4] =	wrdreg $0xC0  }
0xba: {  	_ =	task [dreg:s22], $0x5FFFF  }
0xbb: {  	[dreg:$0x1] =	wrdreg $0xFFFFFFFF  }
0xbc: {  	[dreg:$0x0] =	wrdreg $0x60  }
0xbd: {  	[dreg:$0x2] =	wrdreg s24  }
0xbe: {  	[dreg:$0x3] =	wrdreg $0xA  }
0xbf: {  	_ =	task.clear_ibuf [dreg:s22], $0x4FFFF;
	_ =	strace $0x90000049  }
0xc0: {  	s29 =	simm.s32 $0xA;
	_ =	strace $0x8000004B  }
0xc1: {  	_ =	swait.ge [sflag:s29], $0x1  }
0xc2: {  	[sflag:s29] =	ssyncadd.s32 $0xFFFFFFFF  }
0xc3: {  	_ =	strace $0x9000004B  }
0xc4: {  	_ =	sfence  }
0xc5: {  	s30 =	sld [smem:$0x0];
	_ =	sdelay $0x2  }
0xc6: {  	s31 =	sshll.u32 s1, $0xD;
	s1 =	sshrl.u32 s1, $0x2  }
0xc7: {  	s4 =	sand.u32 $0x4000, s31;
	s1 =	sadd.s32 s1, s30  }
0xc8: {  	s0 =	sor.u32 s4, s0;
	s1 =	sshll.u32 s1, $0x11  }
0xc9: {  	s0 =	sor.u32 s1, s0  }
0xca: {  	s0 =	sadd.s32 $0x8F2B, s0  }
0xcb: {  	[sflag:s0] =	ssyncadd.remote.s32 $0x1  }
0xcc: {  	_ =	sfence.sel $0xFFFF  }
0xcd: {  	[dreg:$0x0] =	wrdreg $0xFFFFFFFF;
	(pc) =	sbr.abs _section_cstart, $3  }
0xce: {  	[dreg:$0x1] =	wrdreg $0xFFFFFFFF  }
0xcf: {  	_ =	task.clear_ibuf [dreg:s22], $0x2FFFF;
	_ =	strace $0x9FFFFFFF  }
0xd0: {  	(tm) =	ssettm $0x7FFFFFFF  }
0xd1: {  	_ =	shalt  }
tec
execute0_lowered:
.L_overlay_start_1:
0x0: {  	(tag) =	ssettag $0x1  }
0x1: {  	s0 =	srdreg.scid  }
0x2: {  	s10 =	stileid.u32;
	s4 =	rddreg [dreg:$0x0];
	s2 =	simm.s32 $0x0  }
0x3: {  	s11 =	simm.s32 $0xB;
	s12 =	simm.s32 $0x80;
	s13 =	simm.s32 $0x3200  }
0x4: {  	s14 =	simm.s32 $0x7200;
	s16 =	simm.s32 $0xB200;
	s18 =	simm.s32 $0xF200  }
0x5: {  	s20 =	simm.s32 $0x13200;
	s28 =	simm.s32 $0x7;
	s29 =	simm.s32 $0x8  }
0x6: {  	s30 =	simm.s32 $0x9;
	s31 =	simm.s32 $0xA;
	s5 =	smul.u32 $0x6400, s10  }
0x7: {  	s0 =	sand.u32 $0x1, s0;
	s1 =	sshll.u32 s10, $0x1;
	s23 =	smul.u32 $0x64000, s10  }
0x8: {  	[smem:$0x7FF] =	sst s2;
	s1 =	sor.u32 s0, s1;
	s7 =	smul.u32 $0x3200, s0  }
0x9: {  	s3 =	sadd.s32 $0x1E200, s4;
	s9 =	sadd.s32 $0xE1E200, s4;
	s1 =	smul.u32 $0x640, s1  }
0xa: {  	_ =	strace $0x8000004A;
	s6 =	ssub.s32 $0x2, s0;
	s0 =	smul.u32 $0x32000, s0  }
0xb: {  	s8 =	sshrl.u32 s6, $0x1;
	s5 =	sadd.s32 s7, s5;
	s1 =	sadd.s32 s1, s4  }
0xc: {  	s21 =	ssub.s32 s6, s8;
	s22 =	sshll.u32 s5, $0x4;
	s1 =	sadd.s32 $0x1A00, s1  }
0xd: {  	s4 =	smax.u32 s21, $0x1;
	[dreg:$0x2] =	wrdreg s1;
	s1 =	sadd.s32 s22, s9  }
0xe: {  	s5 =	sadd.s32 s23, s9;
	[dreg:$0x3] =	wrdreg s4;
	s24 =	sadd.s32 $0x2000, s1  }
0xf: {  	s21 =	simm.s32 $0x1;
	s25 =	sadd.s32 $0x1800, s1;
	[dreg:$0x4] =	wrdreg s24  }
0x10: {  	s23 =	simm.s32 $0x3;
	s26 =	sadd.s32 $0x1000, s1;
	[dreg:$0x5] =	wrdreg s25  }
0x11: {  	s0 =	sadd.s32 s0, s5;
	s1 =	sadd.s32 $0x800, s1;
	[dreg:$0x6] =	wrdreg s26  }
0x12: {  	s22 =	simm.s32 $0x2;
	[dreg:$0x7] =	wrdreg s1;
	s24 =	simm.s32 $0x4  }
0x13: {  	s25 =	simm.s32 $0x5;
	s26 =	simm.s32 $0x6;
	s1 =	simm.s32 $0x0  }
.LBB2_1:
0x14: {  	s4 =	rddreg [dreg:$0x2]  }
0x15: {  	[tilespmem:s2], [sflag:$0xB] =	stream.linear.gather [hbm4b:s4+s2], $0x3200, $0x38;
	[tilespmem:$0x17200] =	vst v63  }
0x16: {  	_ =	swait.ge [sflag:s11], $0x3200  }
0x17: {  	[sflag:s11] =	ssyncset.done $0x0  }
0x18: {  	[sflag:s11] =	ssyncadd.s32 $0xFFFFCE00  }
0x19: {  	[tilespmem:s13], [sflag:$0x1] =	stream.indirect.gather [hbm4b:s3+s12], $0x80, s2, s12, $0xb8;
	[tilespmem:$0x17200] =	vst v63  }
0x1a: {  	s9 =	rddreg [dreg:$0x7]  }
0x1b: {  	[tilespmem:s14], [sflag:$0x2] =	stream.indirect.gather [hbm4b:s3+s12], $0x80, s12, s12, $0xb8;
	[tilespmem:$0x17200] =	vst v63  }
0x1c: {  	s15 =	simm.s32 $0x100;
	s8 =	rddreg [dreg:$0x6]  }
0x1d: {  	[tilespmem:s16], [sflag:$0x3] =	stream.indirect.gather [hbm4b:s3+s12], $0x80, s15, s12, $0xb8;
	[tilespmem:$0x17200] =	vst v63  }
0x1e: {  	s17 =	simm.s32 $0x180;
	s19 =	simm.s32 $0x200;
	s7 =	rddreg [dreg:$0x5]  }
0x1f: {  	[tilespmem:s18], [sflag:$0x4] =	stream.indirect.gather [hbm4b:s3+s12], $0x80, s17, s12, $0xb8;
	[tilespmem:$0x17200] =	vst v63  }
0x20: {  	s10 =	smov.u32 s0;
	s5 =	simm.s32 $0x0;
	s6 =	rddreg [dreg:$0x4]  }
0x21: {  	[tilespmem:s20], [sflag:$0x5] =	stream.indirect.gather [hbm4b:s3+s12], $0x80, s19, s12, $0xb8;
	[tilespmem:$0x17200] =	vst v63  }
.LBB2_2:
0x22: {  	_ =	swait.ge [sflag:s21], $0x4000  }
0x23: {  	[sflag:s21] =	ssyncset.done $0x0  }
0x24: {  	[sflag:s21] =	ssyncadd.s32 $0xFFFFC000  }
0x25: {  	[hbm4b:s10+s2] =	stream.linear.scatter [tilespmem:s13], [sflag:$0x6], $0x4000, $0x38;
	[tilespmem:$0x17200] =	vst v63  }
0x26: {  	_ =	swait.ge [sflag:s22], $0x4000  }
0x27: {  	[sflag:s22] =	ssyncset.done $0x0  }
0x28: {  	[sflag:s22] =	ssyncadd.s32 $0xFFFFC000  }
0x29: {  	[hbm4b:s9+s2] =	stream.linear.scatter [tilespmem:s14], [sflag:$0x7], $0x4000, $0x38;
	[tilespmem:$0x17200] =	vst v63  }
0x2a: {  	_ =	swait.ge [sflag:s23], $0x4000  }
0x2b: {  	[sflag:s23] =	ssyncset.done $0x0  }
0x2c: {  	[sflag:s23] =	ssyncadd.s32 $0xFFFFC000  }
0x2d: {  	[hbm4b:s8+s2] =	stream.linear.scatter [tilespmem:s16], [sflag:$0x8], $0x4000, $0x38;
	[tilespmem:$0x17200] =	vst v63  }
0x2e: {  	_ =	swait.ge [sflag:s24], $0x4000  }
0x2f: {  	[sflag:s24] =	ssyncset.done $0x0  }
0x30: {  	[sflag:s24] =	ssyncadd.s32 $0xFFFFC000  }
0x31: {  	[hbm4b:s7+s2] =	stream.linear.scatter [tilespmem:s18], [sflag:$0x9], $0x4000, $0x38;
	[tilespmem:$0x17200] =	vst v63  }
0x32: {  	_ =	swait.ge [sflag:s25], $0x4000  }
0x33: {  	p0 =	seq.s32 s5, $0xBE00;
	[sflag:s25] =	ssyncset.done $0x0  }
0x34: {  	s4 =	simm.s32 @!p0 $0x6;
	[sflag:s25] =	ssyncadd.s32 $0xFFFFC000  }
0x35: {  	[hbm4b:s6+s2] =	stream.linear.scatter [tilespmem:s20], [sflag:$0xA], $0x4000, $0x38;
	[tilespmem:$0x17200] =	vst v63  }
0x36: {  	_ =	swait.ge @!p0 [sflag:s4], $0x4000  }
0x37: {  	[sflag:s4] =	ssyncset.done @!p0 $0x0  }
0x38: {  	[sflag:s4] =	ssyncadd.s32 @!p0 $0xFFFFC000;
	s4 =	sshra.s32 @!p0 s5, $0x2  }
0x39: {  	s17 =	simm.s32 @!p0 $0x80;
	s15 =	simm.s32 @!p0 $0x3200;
	s19 =	sadd.s32 @!p0 $0x280, s4  }
0x3a: {  	[tilespmem:s15], [sflag:$0x1] =	stream.indirect.gather @!p0 [hbm4b:s3+s17], $0x80, s19, s17, $0xb8;
	[tilespmem:$0x17200] =	vst v63  }
0x3b: {  	s15 =	simm.s32 @!p0 $0x7  }
0x3c: {  	_ =	swait.ge @!p0 [sflag:s15], $0x4000  }
0x3d: {  	[sflag:s15] =	ssyncset.done @!p0 $0x0  }
0x3e: {  	s19 =	simm.s32 @!p0 $0x7200;
	[sflag:s15] =	ssyncadd.s32 @!p0 $0xFFFFC000;
	s15 =	sadd.s32 @!p0 $0x300, s4  }
0x3f: {  	[tilespmem:s19], [sflag:$0x2] =	stream.indirect.gather @!p0 [hbm4b:s3+s17], $0x80, s15, s17, $0xb8;
	[tilespmem:$0x17200] =	vst v63  }
0x40: {  	s15 =	simm.s32 @!p0 $0x8  }
0x41: {  	_ =	swait.ge @!p0 [sflag:s15], $0x4000  }
0x42: {  	[sflag:s15] =	ssyncset.done @!p0 $0x0  }
0x43: {  	s19 =	simm.s32 @!p0 $0xB200;
	[sflag:s15] =	ssyncadd.s32 @!p0 $0xFFFFC000;
	s15 =	sadd.s32 @!p0 $0x380, s4  }
0x44: {  	[tilespmem:s19], [sflag:$0x3] =	stream.indirect.gather @!p0 [hbm4b:s3+s17], $0x80, s15, s17, $0xb8;
	[tilespmem:$0x17200] =	vst v63  }
0x45: {  	s5 =	sadd.s32 @!p0 $0xA00, s5;
	s15 =	simm.s32 @!p0 $0x9  }
0x46: {  	p1 =	sne.s32 @!p0 s5, $0xC800;
	_ =	swait.ge @!p0 [sflag:s15], $0x4000  }
0x47: {  	p1 =	por p0, !p1;
	[sflag:s15] =	ssyncset.done @!p0 $0x0  }
0x48: {  	s19 =	simm.s32 @!p0 $0xF200;
	[sflag:s15] =	ssyncadd.s32 @!p0 $0xFFFFC000;
	s15 =	sadd.s32 @!p0 $0x400, s4  }
0x49: {  	[tilespmem:s19], [sflag:$0x4] =	stream.indirect.gather @!p0 [hbm4b:s3+s17], $0x80, s15, s17, $0xb8;
	[tilespmem:$0x17200] =	vst v63  }
.Ltmp0:
0x4a: {  	s10 =	sadd.s32 @!p0 $0x2800, s10;
	s15 =	simm.s32 @!p0 $0xA;
	(pc) =	sbr.rel @!p1 .LBB2_2-.Ltmp0, $4  }
0x4b: {  	s9 =	sadd.s32 @!p0 $0x2800, s9;
	s8 =	sadd.s32 @!p0 $0x2800, s8;
	_ =	swait.ge @!p0 [sflag:s15], $0x4000  }
0x4c: {  	s7 =	sadd.s32 @!p0 $0x2800, s7;
	s6 =	sadd.s32 @!p0 $0x2800, s6;
	[sflag:s15] =	ssyncset.done @!p0 $0x0  }
0x4d: {  	s4 =	sadd.s32 @!p0 $0x480, s4;
	[sflag:s15] =	ssyncadd.s32 @!p0 $0xFFFFC000;
	s15 =	simm.s32 @!p0 $0x13200  }
0x4e: {  	[tilespmem:s15], [sflag:$0x5] =	stream.indirect.gather @!p0 [hbm4b:s3+s17], $0x80, s4, s17, $0xb8;
	[tilespmem:$0x17200] =	vst v63  }
0x4f: {  	_ =	swait.ge [sflag:s26], $0x4000  }
0x50: {  	[sflag:s26] =	ssyncset.done $0x0  }
0x51: {  	[sflag:s26] =	ssyncadd.s32 $0xFFFFC000  }
0x52: {  	_ =	swait.ge [sflag:s28], $0x4000  }
0x53: {  	[sflag:s28] =	ssyncset.done $0x0  }
0x54: {  	[sflag:s28] =	ssyncadd.s32 $0xFFFFC000  }
0x55: {  	_ =	swait.ge [sflag:s29], $0x4000  }
0x56: {  	[sflag:s29] =	ssyncset.done $0x0  }
0x57: {  	[sflag:s29] =	ssyncadd.s32 $0xFFFFC000  }
0x58: {  	_ =	swait.ge [sflag:s30], $0x4000  }
0x59: {  	[sflag:s30] =	ssyncset.done $0x0  }
0x5a: {  	[sflag:s30] =	ssyncadd.s32 $0xFFFFC000  }
0x5b: {  	_ =	swait.ge [sflag:s31], $0x4000  }
0x5c: {  	s1 =	sadd.s32 $0x1, s1;
	s4 =	rddreg [dreg:$0x3]  }
0x5d: {  	p0 =	sne.s32 s1, s4  }
.Ltmp1:
0x5e: {  	_ = 	snop;
	(pc) =	sbr.rel @p0 .LBB2_1-.Ltmp1, $3  }
0x5f: {  	_ =	sdelay $0x1  }
0x60: {  	[sflag:s31] =	ssyncset.done $0x0  }
0x61: {  	[sflag:s31] =	ssyncadd.s32 $0xFFFFC000  }
0x62: {  	_ =	sfence.sel $0x180000  }
0x63: {  	[bflag:$0x0] =	sbarrier.arrive $0xFFFF  }
0x64: {  	_ =	strace $0x9000004A  }
0x65: {  	s0 =	stileid.u32;
	[bflag:$0x2] =	sbarrier.arrive $0xFFFF  }
0x66: {  	p0 =	sne.s32 s0, $0x0;
	s0 =	rddreg [dreg:$0x1]  }
0x67: {  	s0 =	sadd.s32 @!p0 $0x100000, s0  }
0x68: {  	[sflag:s0] =	ssyncadd.tile.s32 @!p0 $0x1;
	_ =	shalt  }
.Lfunc_end2:
_tile_overlayer_lowered:
.L_overlay_start_2:
0x69: {  	(tag) =	ssettag $0x2  }
0x6a: {  	s0 =	rddreg [dreg:$0x0];
	s2 =	stileid.u32  }
0x6b: {  	s1 =	rddreg [dreg:$0x1];
	p0 =	sne.s32 s2, $0x0  }
0x6c: {  	s3 =	rddreg [dreg:$0x2];
	[bflag:$0x3] =	sbarrier.arrive $0xFFFF;
	s2 =	simm.s32 @!p0 $0x1C0B  }
0x6d: {  	[timem:s3], [sflag:s2] =	dma.local @!p0 [hbm:s0], s1  }
0x6e: {  	s0 =	simm.s32 @!p0 $0xB  }
0x6f: {  	_ =	swait.ge @!p0 [sflag:s0], s1  }
0x70: {  	s1 =	ssub.s32 @!p0 $0x0, s1;
	[sflag:s0] =	ssyncset.done @!p0 $0x0  }
0x71: {  	[sflag:s0] =	ssyncadd.s32 @!p0 s1  }
0x72: {  	[bflag:$0x3] =	sbarrier.arrive $0xFFFF  }
0x73: {  	_ =	shalt  }

// kernel: kernel.7.cloned.1.call-start
scs
__scs_entry_jumppad:
0x0: {  	(pc) =	sbr.rel $0x88, $3  }
0x1: {  	(tag) =	ssettag $0x0;
	lr =	simm.s32 $0x1  }
0x2: {  	[smem:$0x3F9C] =	sst lr;
	_ =	strace $0xD0000000  }
0x3: {  	_ = 	snop  }
0x4: {  	_ = 	snop  }
0x5: {  	_ = 	snop  }
0x6: {  	_ = 	snop  }
0x7: {  	_ = 	snop  }
__scs_overlays_trampoline_lowered:
0x8: {  	[smem:$0x3FAB] =	sst s0  }
0x9: {  	[smem:$0x3FAC] =	sst s1  }
0xa: {  	[smem:$0x3FAD] =	sst s2  }
0xb: {  	[smem:$0x3FAE] =	sst s3  }
0xc: {  	[smem:$0x3FAF] =	sst s4  }
0xd: {  	[smem:$0x3FB0] =	sst s5  }
0xe: {  	[smem:$0x3FB1] =	sst s6  }
0xf: {  	[smem:$0x3FB2] =	sst s7  }
0x10: {  	[smem:$0x3FB3] =	sst s8  }
0x11: {  	[smem:$0x3FB4] =	sst s9;
	s0 =	simm.s32 @!p0 $0x0  }
0x12: {  	s1 =	sld [smem:$0x3F9A];
	s0 =	simm.s32 @p0 $0x1  }
0x13: {  	[smem:$0x3FB5] =	sst s0;
	s0 =	simm.s32 @!p1 $0x0  }
0x14: {  	s2 =	sld [smem:$0x3F99];
	s0 =	simm.s32 @p1 $0x1  }
0x15: {  	[smem:$0x3FB6] =	sst s0;
	s0 =	simm.s32 @!p2 $0x0  }
0x16: {  	s3 =	sld [smem:$0x3FDB];
	s0 =	simm.s32 @p2 $0x1  }
0x17: {  	s4 =	simm.s32 $0x1BF5;
	[smem:$0x3FB8] =	sst s0  }
0x18: {  	s0 =	sld [smem:$0x3F9B];
	_ =	swait.ge [sflag:s4], $0x0  }
0x19: {  	s7 =	sld [smem:$0x3F9C]  }
0x1a: {  	s8 =	sadd.s32 $0xFFFFE003, lr  }
0x1b: {  	s9 =	sadd.s32 $0xFFFFFEF7, lr;
	s5 =	simm.s32 $0xFFFFFFFF;
	p2 =	slt.u32 s8, $0xFFFFF086  }
0x1c: {  	p1 =	slt.u32 s9, $0xF7A;
	s5 =	simm.s32 @!p2 $0x0  }
0x1d: {  	s5 =	simm.s32 @p1 $0x1;
	p0 =	seq.s32 s7, s2  }
0x1e: {  	s7 =	smul.u32 @!p0 $0xF7A, s2;
	p2 =	seq.s32 @!p0 s5, $0x0  }
0x1f: {  	s9 =	smul.u32 $0xF7A, s1;
	s8 =	simm.s32 @!p0 $0x1BF5;
	p2 =	por !p2, p0  }
0x20: {  	[sflag:s8] =	ssyncset.s32 @!p0 $0xFFFFF086;
	s6 =	sadd.s32 @!p0 s3, s7;
	s7 =	simm.s32 @!p0 $0x108  }
0x21: {  	s3 =	sadd.s32 s3, s9;
	s6 =	sadd.s32 @!p0 $0x88, s6;
	s7 =	simm.s32 @p2 $0x1082  }
0x22: {  	[simem:s7], [sflag:s8] =	dma.local @!p0 [hbm:s6], $0xF7A  }
0x23: {  	s9 =	sor.u32 $0xD0000000, s2;
	s6 =	simm.s32 $0x108;
	_ =	swait.ge @!p0 [sflag:s8], $0x0  }
0x24: {  	s3 =	sadd.s32 $0x88, s3;
	s6 =	simm.s32 @!p1 $0x1082;
	[sflag:s4] =	ssyncset.s32 $0xFFFFF086  }
0x25: {  	[simem:s6], [sflag:s4] =	dma.local [hbm:s3], $0xF7A  }
0x26: {  	[smem:$0x3F9C] =	sst s1;
	(tag) =	ssettag s2;
	_ =	strace s9  }
0x27: {  	s1 =	sld [smem:$0x3FAC]  }
0x28: {  	s2 =	sld [smem:$0x3FAD]  }
0x29: {  	s4 =	sld [smem:$0x3FAF]  }
0x2a: {  	p0 =	seq.s32 s5, $0x0;
	s5 =	sld [smem:$0x3FB0]  }
0x2b: {  	s6 =	sld [smem:$0x3FB1]  }
0x2c: {  	s7 =	sld [smem:$0x3FB2]  }
0x2d: {  	s3 =	simm.s32 $0x108;
	s8 =	sld [smem:$0x3FB3]  }
0x2e: {  	s3 =	simm.s32 @!p0 $0x1082;
	s9 =	sld [smem:$0x3FB4]  }
0x2f: {  	lr =	sadd.s32 s0, s3;
	s0 =	sld [smem:$0x3FAB]  }
0x30: {  	s3 =	sld [smem:$0x3FAE]  }
0x31: {  	[smem:$0x3FB7] =	sst s10  }
0x32: {  	s10 =	sld [smem:$0x3FB5];
	_ =	sdelay $0x3  }
0x33: {  	p0 =	seq.s32 s10, $0x1;
	s10 =	sld [smem:$0x3FB7];
	_ =	sdelay $0x3  }
0x34: {  	[smem:$0x3FB7] =	sst s10  }
0x35: {  	s10 =	sld [smem:$0x3FB6];
	_ =	sdelay $0x3  }
0x36: {  	p1 =	seq.s32 s10, $0x1;
	s10 =	sld [smem:$0x3FB7];
	_ =	sdelay $0x3  }
0x37: {  	[smem:$0x3FB7] =	sst s10  }
0x38: {  	s10 =	sld [smem:$0x3FB8]  }
0x39: {  	_ = 	snop;
	(pc) =	sbr.ind lr, $3  }
0x3a: {  	_ = 	snop  }
0x3b: {  	_ = 	snop  }
0x3c: {  	p2 =	seq.s32 s10, $0x1;
	s10 =	sld [smem:$0x3FB7]  }
0x3d: {  	_ =	shalt  }
0x3e: {  	_ =	shalt  }
0x3f: {  	_ =	shalt  }
0x40: {  	_ =	shalt  }
0x41: {  	_ =	shalt  }
0x42: {  	_ =	shalt  }
0x43: {  	_ =	shalt  }
0x44: {  	_ =	shalt  }
0x45: {  	_ =	shalt  }
0x46: {  	_ =	shalt  }
0x47: {  	_ =	shalt  }
0x48: {  	_ =	shalt  }
0x49: {  	_ =	shalt  }
0x4a: {  	_ =	shalt  }
0x4b: {  	_ =	shalt  }
0x4c: {  	_ =	shalt  }
0x4d: {  	_ =	shalt  }
0x4e: {  	_ =	shalt  }
0x4f: {  	_ =	shalt  }
0x50: {  	_ =	shalt  }
0x51: {  	_ =	shalt  }
0x52: {  	_ =	shalt  }
0x53: {  	_ =	shalt  }
0x54: {  	_ =	shalt  }
0x55: {  	_ =	shalt  }
0x56: {  	_ =	shalt  }
0x57: {  	_ =	shalt  }
0x58: {  	_ =	shalt  }
0x59: {  	_ =	shalt  }
0x5a: {  	_ =	shalt  }
0x5b: {  	_ =	shalt  }
0x5c: {  	_ =	shalt  }
0x5d: {  	_ =	shalt  }
0x5e: {  	_ =	shalt  }
0x5f: {  	_ =	shalt  }
0x60: {  	_ =	shalt  }
0x61: {  	_ =	shalt  }
0x62: {  	_ =	shalt  }
0x63: {  	_ =	shalt  }
0x64: {  	_ =	shalt  }
0x65: {  	_ =	shalt  }
0x66: {  	_ =	shalt  }
0x67: {  	_ =	shalt  }
0x68: {  	_ =	shalt  }
0x69: {  	_ =	shalt  }
0x6a: {  	_ =	shalt  }
0x6b: {  	_ =	shalt  }
0x6c: {  	_ =	shalt  }
0x6d: {  	_ =	shalt  }
0x6e: {  	_ =	shalt  }
0x6f: {  	_ =	shalt  }
0x70: {  	_ =	shalt  }
0x71: {  	_ =	shalt  }
0x72: {  	_ =	shalt  }
0x73: {  	_ =	shalt  }
0x74: {  	_ =	shalt  }
0x75: {  	_ =	shalt  }
0x76: {  	_ =	shalt  }
0x77: {  	_ =	shalt  }
0x78: {  	_ =	shalt  }
0x79: {  	_ =	shalt  }
0x7a: {  	_ =	shalt  }
0x7b: {  	_ =	shalt  }
0x7c: {  	_ =	shalt  }
0x7d: {  	_ =	shalt  }
0x7e: {  	_ =	shalt  }
0x7f: {  	_ =	shalt  }
0x80: {  	_ =	shalt  }
0x81: {  	_ =	shalt  }
0x82: {  	_ =	shalt  }
0x83: {  	_ =	shalt  }
0x84: {  	_ =	shalt  }
0x85: {  	_ =	shalt  }
0x86: {  	_ =	shalt  }
0x87: {  	_ =	shalt  }
.Lfunc_end0:
.L_simem_size_0:
called_computation_lowered:
.L_overlay_start_0:
0x88: {  	s2 =	sld [smem:$0x3FD9]  }
0x89: {  	s3 =	sld [smem:$0x3FFE];
	_ =	sdelay $0x1  }
0x8a: {  	s1 =	srdreg.scid  }
0x8b: {  	s0 =	sand.u32 $0x1, s1  }
0x8c: {  	s16 =	sshll.u32 s0, $0xA;
	s2 =	sadd.s32 s3, s2  }
0x8d: {  	s2 =	sadd.s32 s2, s16  }
0x8e: {  	[smem:$0x3FC3] =	sst s2  }
0x8f: {  	_ = 	snop  }
0x90: {  	(tm) =	ssettm $0x1  }
0x91: {  	s17 =	sld [smem:$0x3FFB];
	_ =	sdelay $0x3  }
0x92: {  	_ =	strace s17  }
0x93: {  	s2 =	sld [smem:$0x3FFC];
	_ =	sdelay $0x3  }
0x94: {  	_ =	strace s2  }
0x95: {  	s2 =	sld [smem:$0x3FFD];
	_ =	sdelay $0x3  }
0x96: {  	_ =	strace s2  }
0x97: {  	_ =	strace $0x8FFFFFFF  }
0x98: {  	s18 =	sld [smem:$0x3FDB];
	_ =	sdelay $0x1  }
0x99: {  	s19 =	simm.s32 $_scs_section_size  }
0x9a: {  	s4 =	simm.s32 $_size__tile_overlayer_lowered;
	s5 =	simm.s32 $_tile_overlayer_lowered  }
0x9b: {  	s22 =	simm.s32 $0x1BFF;
	s21 =	sshll.u32 s5, $0x1;
	s2 =	sadd.s32 s19, s18  }
0x9c: {  	s6 =	simm.s32 $0x0;
	s20 =	sshll.u32 s4, $0x1;
	s4 =	sadd.s32 s21, s2  }
0x9d: {  	[timem:s6], [sflag:s22] =	dma.local [hbm:s4], s20  }
0x9e: {  	_ =	swait.ge [sflag:s22], s20  }
0x9f: {  	s3 =	ssub.s32 $0x0, s20;
	[sflag:s22] =	ssyncset.done $0x0  }
0xa0: {  	[sflag:s22] =	ssyncadd.s32 s3;
	_ =	sdelay $0x1  }
0xa1: {  	s23 =	simm.s32 $0x1B8B  }
0xa2: {  	_ =	swait.ge [sflag:s23], $0x1  }
0xa3: {  	[sflag:s23] =	ssyncset.done $0x0  }
0xa4: {  	s25 =	simm.s32 $0x1B8E;
	s24 =	sld [smem:$0x3FFE];
	[sflag:s23] =	ssyncadd.s32 $0xFFFFFFFF  }
0xa5: {  	s26 =	simm.s32 $execute0_lowered;
	[smem:$0x3FD2] =	sst s25  }
0xa6: {  	s4 =	sshll.u32 s26, $0x1;
	_ =	strace $0x80000046;
	[dreg:$0x1] =	wrdreg $0xFFFFFFFF  }
0xa7: {  	s28 =	simm.s32 $_size_execute0_lowered;
	s2 =	sadd.s32 s2, s4;
	[dreg:$0x0] =	wrdreg $0x0  }
0xa8: {  	s4 =	sshll.u32 s28, $0x1;
	[dreg:$0x2] =	wrdreg s2  }
0xa9: {  	[dreg:$0x3] =	wrdreg s4  }
0xaa: {  	[dreg:$0x4] =	wrdreg $0xC0  }
0xab: {  	_ =	task [dreg:s6], $0x5FFFF  }
0xac: {  	[dreg:$0x1] =	wrdreg $0xFFFFFFFF  }
0xad: {  	[dreg:$0x0] =	wrdreg $0x60  }
0xae: {  	[dreg:$0x2] =	wrdreg s24  }
0xaf: {  	[dreg:$0x3] =	wrdreg $0x9  }
0xb0: {  	_ =	task.clear_ibuf [dreg:s6], $0x4FFFF;
	_ =	strace $0x90000046  }
0xb1: {  	s29 =	simm.s32 $0x9;
	_ =	strace $0x80000048  }
0xb2: {  	_ =	swait.ge [sflag:s29], $0x1  }
0xb3: {  	[sflag:s29] =	ssyncadd.s32 $0xFFFFFFFF  }
0xb4: {  	_ =	strace $0x90000048  }
0xb5: {  	_ =	sfence  }
0xb6: {  	s30 =	sld [smem:$0x0];
	_ =	sdelay $0x2  }
0xb7: {  	s31 =	sshll.u32 s1, $0xD;
	s1 =	sshrl.u32 s1, $0x2  }
0xb8: {  	s3 =	sand.u32 $0x4000, s31;
	s1 =	sadd.s32 s1, s30  }
0xb9: {  	s0 =	sor.u32 s3, s0;
	s1 =	sshll.u32 s1, $0x11  }
0xba: {  	s0 =	sor.u32 s1, s0  }
0xbb: {  	s0 =	sadd.s32 $0x8F2B, s0  }
0xbc: {  	[sflag:s0] =	ssyncadd.remote.s32 $0x1  }
0xbd: {  	_ =	sfence.sel $0xFFFF  }
0xbe: {  	[dreg:$0x0] =	wrdreg $0xFFFFFFFF;
	(pc) =	sbr.abs _section_cstart, $3  }
0xbf: {  	[dreg:$0x1] =	wrdreg $0xFFFFFFFF  }
0xc0: {  	_ =	task.clear_ibuf [dreg:s6], $0x2FFFF;
	_ =	strace $0x9FFFFFFF  }
0xc1: {  	(tm) =	ssettm $0x7FFFFFFF  }
tec
execute0_lowered:
.L_overlay_start_1:
0x0: {  	(tag) =	ssettag $0x1  }
0x1: {  	s0 =	srdreg.scid  }
0x2: {  	s10 =	stileid.u32;
	s4 =	rddreg [dreg:$0x0];
	s2 =	simm.s32 $0x0  }
0x3: {  	s11 =	simm.s32 $0xB;
	s12 =	simm.s32 $0x80;
	s13 =	simm.s32 $0x3200  }
0x4: {  	s14 =	simm.s32 $0x7200;
	s16 =	simm.s32 $0xB200;
	s18 =	simm.s32 $0xF200  }
0x5: {  	s20 =	simm.s32 $0x13200;
	s28 =	simm.s32 $0x7;
	s29 =	simm.s32 $0x8  }
0x6: {  	s30 =	simm.s32 $0x9;
	s31 =	simm.s32 $0xA;
	s5 =	smul.u32 $0x6400, s10  }
0x7: {  	s0 =	sand.u32 $0x1, s0;
	s1 =	sshll.u32 s10, $0x1;
	s23 =	smul.u32 $0x64000, s10  }
0x8: {  	[smem:$0x7FF] =	sst s2;
	s1 =	sor.u32 s0, s1;
	s7 =	smul.u32 $0x3200, s0  }
0x9: {  	s3 =	sadd.s32 $0x1E200, s4;
	s9 =	sadd.s32 $0x7DE200, s4;
	s1 =	smul.u32 $0x640, s1  }
0xa: {  	_ =	strace $0x80000047;
	s6 =	ssub.s32 $0x2, s0;
	s0 =	smul.u32 $0x32000, s0  }
0xb: {  	s8 =	sshrl.u32 s6, $0x1;
	s5 =	sadd.s32 s7, s5;
	s1 =	sadd.s32 s1, s4  }
0xc: {  	s21 =	ssub.s32 s6, s8;
	s22 =	sshll.u32 s5, $0x4;
	s1 =	sadd.s32 $0x11A00, s1  }
0xd: {  	s4 =	smax.u32 s21, $0x1;
	[dreg:$0x2] =	wrdreg s1;
	s1 =	sadd.s32 s22, s9  }
0xe: {  	s5 =	sadd.s32 s23, s9;
	[dreg:$0x3] =	wrdreg s4;
	s24 =	sadd.s32 $0x2000, s1  }
0xf: {  	s21 =	simm.s32 $0x1;
	s25 =	sadd.s32 $0x1800, s1;
	[dreg:$0x4] =	wrdreg s24  }
0x10: {  	s23 =	simm.s32 $0x3;
	s26 =	sadd.s32 $0x1000, s1;
	[dreg:$0x5] =	wrdreg s25  }
0x11: {  	s0 =	sadd.s32 s0, s5;
	s1 =	sadd.s32 $0x800, s1;
	[dreg:$0x6] =	wrdreg s26  }
0x12: {  	s22 =	simm.s32 $0x2;
	[dreg:$0x7] =	wrdreg s1;
	s24 =	simm.s32 $0x4  }
0x13: {  	s25 =	simm.s32 $0x5;
	s26 =	simm.s32 $0x6;
	s1 =	simm.s32 $0x0  }
.LBB2_1:
0x14: {  	s4 =	rddreg [dreg:$0x2]  }
0x15: {  	[tilespmem:s2], [sflag:$0xB] =	stream.linear.gather [hbm4b:s4+s2], $0x3200, $0x38;
	[tilespmem:$0x17200] =	vst v63  }
0x16: {  	_ =	swait.ge [sflag:s11], $0x3200  }
0x17: {  	[sflag:s11] =	ssyncset.done $0x0  }
0x18: {  	[sflag:s11] =	ssyncadd.s32 $0xFFFFCE00  }
0x19: {  	[tilespmem:s13], [sflag:$0x1] =	stream.indirect.gather [hbm4b:s3+s12], $0x80, s2, s12, $0xb8;
	[tilespmem:$0x17200] =	vst v63  }
0x1a: {  	s9 =	rddreg [dreg:$0x7]  }
0x1b: {  	[tilespmem:s14], [sflag:$0x2] =	stream.indirect.gather [hbm4b:s3+s12], $0x80, s12, s12, $0xb8;
	[tilespmem:$0x17200] =	vst v63  }
0x1c: {  	s15 =	simm.s32 $0x100;
	s8 =	rddreg [dreg:$0x6]  }
0x1d: {  	[tilespmem:s16], [sflag:$0x3] =	stream.indirect.gather [hbm4b:s3+s12], $0x80, s15, s12, $0xb8;
	[tilespmem:$0x17200] =	vst v63  }
0x1e: {  	s17 =	simm.s32 $0x180;
	s19 =	simm.s32 $0x200;
	s7 =	rddreg [dreg:$0x5]  }
0x1f: {  	[tilespmem:s18], [sflag:$0x4] =	stream.indirect.gather [hbm4b:s3+s12], $0x80, s17, s12, $0xb8;
	[tilespmem:$0x17200] =	vst v63  }
0x20: {  	s10 =	smov.u32 s0;
	s5 =	simm.s32 $0x0;
	s6 =	rddreg [dreg:$0x4]  }
0x21: {  	[tilespmem:s20], [sflag:$0x5] =	stream.indirect.gather [hbm4b:s3+s12], $0x80, s19, s12, $0xb8;
	[tilespmem:$0x17200] =	vst v63  }
.LBB2_2:
0x22: {  	_ =	swait.ge [sflag:s21], $0x4000  }
0x23: {  	[sflag:s21] =	ssyncset.done $0x0  }
0x24: {  	[sflag:s21] =	ssyncadd.s32 $0xFFFFC000  }
0x25: {  	[hbm4b:s10+s2] =	stream.linear.scatter [tilespmem:s13], [sflag:$0x6], $0x4000, $0x38;
	[tilespmem:$0x17200] =	vst v63  }
0x26: {  	_ =	swait.ge [sflag:s22], $0x4000  }
0x27: {  	[sflag:s22] =	ssyncset.done $0x0  }
0x28: {  	[sflag:s22] =	ssyncadd.s32 $0xFFFFC000  }
0x29: {  	[hbm4b:s9+s2] =	stream.linear.scatter [tilespmem:s14], [sflag:$0x7], $0x4000, $0x38;
	[tilespmem:$0x17200] =	vst v63  }
0x2a: {  	_ =	swait.ge [sflag:s23], $0x4000  }
0x2b: {  	[sflag:s23] =	ssyncset.done $0x0  }
0x2c: {  	[sflag:s23] =	ssyncadd.s32 $0xFFFFC000  }
0x2d: {  	[hbm4b:s8+s2] =	stream.linear.scatter [tilespmem:s16], [sflag:$0x8], $0x4000, $0x38;
	[tilespmem:$0x17200] =	vst v63  }
0x2e: {  	_ =	swait.ge [sflag:s24], $0x4000  }
0x2f: {  	[sflag:s24] =	ssyncset.done $0x0  }
0x30: {  	[sflag:s24] =	ssyncadd.s32 $0xFFFFC000  }
0x31: {  	[hbm4b:s7+s2] =	stream.linear.scatter [tilespmem:s18], [sflag:$0x9], $0x4000, $0x38;
	[tilespmem:$0x17200] =	vst v63  }
0x32: {  	_ =	swait.ge [sflag:s25], $0x4000  }
0x33: {  	p0 =	seq.s32 s5, $0xBE00;
	[sflag:s25] =	ssyncset.done $0x0  }
0x34: {  	s4 =	simm.s32 @!p0 $0x6;
	[sflag:s25] =	ssyncadd.s32 $0xFFFFC000  }
0x35: {  	[hbm4b:s6+s2] =	stream.linear.scatter [tilespmem:s20], [sflag:$0xA], $0x4000, $0x38;
	[tilespmem:$0x17200] =	vst v63  }
0x36: {  	_ =	swait.ge @!p0 [sflag:s4], $0x4000  }
0x37: {  	[sflag:s4] =	ssyncset.done @!p0 $0x0  }
0x38: {  	[sflag:s4] =	ssyncadd.s32 @!p0 $0xFFFFC000;
	s4 =	sshra.s32 @!p0 s5, $0x2  }
0x39: {  	s17 =	simm.s32 @!p0 $0x80;
	s15 =	simm.s32 @!p0 $0x3200;
	s19 =	sadd.s32 @!p0 $0x280, s4  }
0x3a: {  	[tilespmem:s15], [sflag:$0x1] =	stream.indirect.gather @!p0 [hbm4b:s3+s17], $0x80, s19, s17, $0xb8;
	[tilespmem:$0x17200] =	vst v63  }
0x3b: {  	s15 =	simm.s32 @!p0 $0x7  }
0x3c: {  	_ =	swait.ge @!p0 [sflag:s15], $0x4000  }
0x3d: {  	[sflag:s15] =	ssyncset.done @!p0 $0x0  }
0x3e: {  	s19 =	simm.s32 @!p0 $0x7200;
	[sflag:s15] =	ssyncadd.s32 @!p0 $0xFFFFC000;
	s15 =	sadd.s32 @!p0 $0x300, s4  }
0x3f: {  	[tilespmem:s19], [sflag:$0x2] =	stream.indirect.gather @!p0 [hbm4b:s3+s17], $0x80, s15, s17, $0xb8;
	[tilespmem:$0x17200] =	vst v63  }
0x40: {  	s15 =	simm.s32 @!p0 $0x8  }
0x41: {  	_ =	swait.ge @!p0 [sflag:s15], $0x4000  }
0x42: {  	[sflag:s15] =	ssyncset.done @!p0 $0x0  }
0x43: {  	s19 =	simm.s32 @!p0 $0xB200;
	[sflag:s15] =	ssyncadd.s32 @!p0 $0xFFFFC000;
	s15 =	sadd.s32 @!p0 $0x380, s4  }
0x44: {  	[tilespmem:s19], [sflag:$0x3] =	stream.indirect.gather @!p0 [hbm4b:s3+s17], $0x80, s15, s17, $0xb8;
	[tilespmem:$0x17200] =	vst v63  }
0x45: {  	s5 =	sadd.s32 @!p0 $0xA00, s5;
	s15 =	simm.s32 @!p0 $0x9  }
0x46: {  	p1 =	sne.s32 @!p0 s5, $0xC800;
	_ =	swait.ge @!p0 [sflag:s15], $0x4000  }
0x47: {  	p1 =	por p0, !p1;
	[sflag:s15] =	ssyncset.done @!p0 $0x0  }
0x48: {  	s19 =	simm.s32 @!p0 $0xF200;
	[sflag:s15] =	ssyncadd.s32 @!p0 $0xFFFFC000;
	s15 =	sadd.s32 @!p0 $0x400, s4  }
0x49: {  	[tilespmem:s19], [sflag:$0x4] =	stream.indirect.gather @!p0 [hbm4b:s3+s17], $0x80, s15, s17, $0xb8;
	[tilespmem:$0x17200] =	vst v63  }
.Ltmp0:
0x4a: {  	s10 =	sadd.s32 @!p0 $0x2800, s10;
	s15 =	simm.s32 @!p0 $0xA;
	(pc) =	sbr.rel @!p1 .LBB2_2-.Ltmp0, $4  }
0x4b: {  	s9 =	sadd.s32 @!p0 $0x2800, s9;
	s8 =	sadd.s32 @!p0 $0x2800, s8;
	_ =	swait.ge @!p0 [sflag:s15], $0x4000  }
0x4c: {  	s7 =	sadd.s32 @!p0 $0x2800, s7;
	s6 =	sadd.s32 @!p0 $0x2800, s6;
	[sflag:s15] =	ssyncset.done @!p0 $0x0  }
0x4d: {  	s4 =	sadd.s32 @!p0 $0x480, s4;
	[sflag:s15] =	ssyncadd.s32 @!p0 $0xFFFFC000;
	s15 =	simm.s32 @!p0 $0x13200  }
0x4e: {  	[tilespmem:s15], [sflag:$0x5] =	stream.indirect.gather @!p0 [hbm4b:s3+s17], $0x80, s4, s17, $0xb8;
	[tilespmem:$0x17200] =	vst v63  }
0x4f: {  	_ =	swait.ge [sflag:s26], $0x4000  }
0x50: {  	[sflag:s26] =	ssyncset.done $0x0  }
0x51: {  	[sflag:s26] =	ssyncadd.s32 $0xFFFFC000  }
0x52: {  	_ =	swait.ge [sflag:s28], $0x4000  }
0x53: {  	[sflag:s28] =	ssyncset.done $0x0  }
0x54: {  	[sflag:s28] =	ssyncadd.s32 $0xFFFFC000  }
0x55: {  	_ =	swait.ge [sflag:s29], $0x4000  }
0x56: {  	[sflag:s29] =	ssyncset.done $0x0  }
0x57: {  	[sflag:s29] =	ssyncadd.s32 $0xFFFFC000  }
0x58: {  	_ =	swait.ge [sflag:s30], $0x4000  }
0x59: {  	[sflag:s30] =	ssyncset.done $0x0  }
0x5a: {  	[sflag:s30] =	ssyncadd.s32 $0xFFFFC000  }
0x5b: {  	_ =	swait.ge [sflag:s31], $0x4000  }
0x5c: {  	s1 =	sadd.s32 $0x1, s1;
	s4 =	rddreg [dreg:$0x3]  }
0x5d: {  	p0 =	sne.s32 s1, s4  }
.Ltmp1:
0x5e: {  	_ = 	snop;
	(pc) =	sbr.rel @p0 .LBB2_1-.Ltmp1, $3  }
0x5f: {  	_ =	sdelay $0x1  }
0x60: {  	[sflag:s31] =	ssyncset.done $0x0  }
0x61: {  	[sflag:s31] =	ssyncadd.s32 $0xFFFFC000  }
0x62: {  	_ =	sfence.sel $0x180000  }
0x63: {  	[bflag:$0x0] =	sbarrier.arrive $0xFFFF  }
0x64: {  	_ =	strace $0x90000047  }
0x65: {  	s0 =	stileid.u32;
	[bflag:$0x2] =	sbarrier.arrive $0xFFFF  }
0x66: {  	p0 =	sne.s32 s0, $0x0;
	s0 =	rddreg [dreg:$0x1]  }
0x67: {  	s0 =	sadd.s32 @!p0 $0x100000, s0  }
0x68: {  	[sflag:s0] =	ssyncadd.tile.s32 @!p0 $0x1;
	_ =	shalt  }
.Lfunc_end2:
_tile_overlayer_lowered:
.L_overlay_start_2:
0x69: {  	(tag) =	ssettag $0x2  }
0x6a: {  	s0 =	rddreg [dreg:$0x0];
	s2 =	stileid.u32  }
0x6b: {  	s1 =	rddreg [dreg:$0x1];
	p0 =	sne.s32 s2, $0x0  }
0x6c: {  	s3 =	rddreg [dreg:$0x2];
	[bflag:$0x3] =	sbarrier.arrive $0xFFFF;
	s2 =	simm.s32 @!p0 $0x1C0B  }
0x6d: {  	[timem:s3], [sflag:s2] =	dma.local @!p0 [hbm:s0], s1  }
0x6e: {  	s0 =	simm.s32 @!p0 $0xB  }
0x6f: {  	_ =	swait.ge @!p0 [sflag:s0], s1  }
0x70: {  	s1 =	ssub.s32 @!p0 $0x0, s1;
	[sflag:s0] =	ssyncset.done @!p0 $0x0  }
0x71: {  	[sflag:s0] =	ssyncadd.s32 @!p0 s1  }
0x72: {  	[bflag:$0x3] =	sbarrier.arrive $0xFFFF  }
0x73: {  	_ =	shalt  }

</sc_bundles>
